<compile_context>
chip_gen: v7x
topology: tpu7x:2x2x1
jax: 0.10.2.dev20260603
libtpu: 0.0.44.dev20260713+nightly
codegen_flags: <defaults>
</compile_context>

<pallas_src>
import functools

import jax
import jax.numpy as jnp
import numpy as np
from jax import lax
from jax.experimental import pallas as pl
from jax.experimental.pallas import tpu as pltpu
from jax.experimental.pallas import tpu_sc as plsc

N = 10000
E = 160000
IN = 16
H = 16
EPS = 1e-5
NORM = 1.0 / 4.0

NW = 32
CH = 128
NCH = 40
EPAD = NW * CH * NCH
EPW = CH * NCH
NP = 10112
ROWS_PER_TILE = NP // 16
DUMMY = N

_mesh = plsc.VectorSubcoreMesh(core_axis_name="c", subcore_axis_name="s")
_sc_params = pltpu.CompilerParams(use_tc_tiling_on_sc=False)



@functools.partial(
    pl.kernel,
    out_type=(
        jax.ShapeDtypeStruct((EPAD, IN), jnp.float32),
        jax.ShapeDtypeStruct((2, NP, 16), jnp.float32),
    ),
    mesh=_mesh,
    compiler_params=_sc_params,
    scratch_types=[
        pltpu.VMEM((NCH, CH), jnp.int32),
        pltpu.VMEM((NCH, CH), jnp.int32),
        pltpu.VMEM((CH, IN), jnp.float32),
        pltpu.VMEM((CH, 16), jnp.float32),
        pltpu.VMEM_SHARED((NP, 16), jnp.float32),
        pltpu.SemaphoreType.DMA,
    ],
)
def _gather_count(na_hbm, dst_hbm, src_hbm, zeros16_hbm, ones_hbm,
                  xg_hbm, cnt_hbm, idxd_v, idxs_v, gbuf, onesbuf, cnt_sh, sem):
    c = lax.axis_index("c")
    s = lax.axis_index("s")
    wid = c * 16 + s
    pltpu.sync_copy(dst_hbm.at[wid], idxd_v)
    pltpu.sync_copy(src_hbm.at[wid], idxs_v)
    pltpu.sync_copy(ones_hbm, onesbuf)
    pltpu.sync_copy(zeros16_hbm.at[pl.ds(s * ROWS_PER_TILE, ROWS_PER_TILE)],
                    cnt_sh.at[pl.ds(s * ROWS_PER_TILE, ROWS_PER_TILE)])
    plsc.subcore_barrier()

    def chunk(j, carry):
        pltpu.async_copy(na_hbm.at[idxd_v.at[j]], gbuf, sem).wait()
        pltpu.sync_copy(gbuf, xg_hbm.at[pl.ds(wid * EPW + j * CH, CH)])
        pltpu.sync_copy(onesbuf, cnt_sh.at[idxs_v.at[j]], add=True)
        return carry

    lax.fori_loop(0, NCH, chunk, 0)
    plsc.subcore_barrier()
    pltpu.sync_copy(cnt_sh.at[pl.ds(s * ROWS_PER_TILE, ROWS_PER_TILE)],
                    cnt_hbm.at[c, pl.ds(s * ROWS_PER_TILE, ROWS_PER_TILE)])


@functools.partial(
    pl.kernel,
    out_type=jax.ShapeDtypeStruct((2, NP, 64), jnp.float32),
    mesh=_mesh,
    compiler_params=_sc_params,
    scratch_types=[
        pltpu.VMEM((NCH, CH), jnp.int32),
        pltpu.VMEM((CH, 64), jnp.float32),
        pltpu.VMEM_SHARED((NP, 64), jnp.float32),
        pltpu.SemaphoreType.DMA,
    ],
)
def _scatter_tp(tp_hbm, src_hbm, zeros64_hbm, acc_hbm, idx_v, tpbuf, acc_sh, sem):
    c = lax.axis_index("c")
    s = lax.axis_index("s")
    wid = c * 16 + s
    pltpu.sync_copy(src_hbm.at[wid], idx_v)
    pltpu.sync_copy(zeros64_hbm.at[pl.ds(s * ROWS_PER_TILE, ROWS_PER_TILE)],
                    acc_sh.at[pl.ds(s * ROWS_PER_TILE, ROWS_PER_TILE)])
    plsc.subcore_barrier()

    def chunk(j, carry):
        pltpu.sync_copy(tp_hbm.at[pl.ds(wid * EPW + j * CH, CH)], tpbuf)
        pltpu.sync_copy(tpbuf, acc_sh.at[idx_v.at[j]], add=True)
        return carry

    lax.fori_loop(0, NCH, chunk, 0)
    plsc.subcore_barrier()
    pltpu.sync_copy(acc_sh.at[pl.ds(s * ROWS_PER_TILE, ROWS_PER_TILE)],
                    acc_hbm.at[c, pl.ds(s * ROWS_PER_TILE, ROWS_PER_TILE)])



BE = 2048


def _tp_body(ea_ref, xg_ref, sh_ref, W1_ref, b1_ref, Rm_ref, Tm_ref,
             CP_ref, B2P_ref, Q_ref, out_ref):
    h = jnp.maximum(ea_ref[...] @ W1_ref[...] + b1_ref[...], 0.0)
    z = (h @ Rm_ref[...]) * (xg_ref[...] @ Tm_ref[...])
    a64 = z @ CP_ref[...] + xg_ref[...] @ B2P_ref[...]
    out_ref[...] = a64 * (sh_ref[...] @ Q_ref[...])


def _fin_body(acc_ref, cnt_ref, na_ref, gs_ref, gv_ref, bs_ref,
              G3_ref, Pv_ref, out_ref):
    summed = acc_ref[0, :N, :] + acc_ref[1, :N, :]
    cnt = cnt_ref[0, :N, :] + cnt_ref[1, :N, :]
    div = jnp.maximum(cnt[:, 0:1], 1.0)
    out = summed / div
    s = out[:, :16] + na_ref[...]
    v = out[:, 16:]
    mu = jnp.mean(s, axis=0, keepdims=True)
    sc = s - mu
    s_norm = jnp.mean(sc * sc, axis=0, keepdims=True)
    s_out = sc * (gs_ref[...] * lax.rsqrt(s_norm + EPS)) + bs_ref[...]
    m48 = jnp.mean(v * v, axis=0, keepdims=True)
    vn16 = m48 @ G3_ref[...]
    scale48 = (gv_ref[...] * lax.rsqrt(vn16 + EPS)) @ Pv_ref[...]
    out_ref[...] = jnp.concatenate([s_out, v * scale48], axis=1)


def _const_spec(shape):
    nd = len(shape)
    return pl.BlockSpec(shape, lambda i, _nd=nd: (0,) * _nd)



@jax.jit
def kernel(node_attr, edge_attr, edge_sh, W1, b1, W2, b2,
           gamma_s, gamma_v, beta_s, edge_index):
    f32 = jnp.float32
    pad = EPAD - E
    ea = jnp.pad(edge_attr, ((0, pad), (0, 0)))
    sh = jnp.pad(edge_sh, ((0, pad), (0, 0)))
    dst3 = jnp.pad(edge_index[1], (0, pad)).reshape(NW, NCH, CH)
    src3 = jnp.pad(edge_index[0], (0, pad),
                   constant_values=DUMMY).reshape(NW, NCH, CH)
    zeros16 = jnp.zeros((NP, 16), f32)
    zeros64 = jnp.zeros((NP, 64), f32)
    ones128 = jnp.ones((CH, 16), f32)

    eye16 = jnp.eye(16, dtype=f32)
    Rm = jnp.repeat(eye16, 16, axis=1)
    Tm = jnp.tile(eye16, (1, 16))
    Cs = W2[:, :256].reshape(256, 16)
    Cv = W2[:, 256:].reshape(256, 16)
    Cm = jnp.concatenate([Cs, Cv], axis=1)
    B2s = b2[:256].reshape(16, 16)
    B2v = b2[256:].reshape(16, 16)
    B2m = jnp.concatenate([B2s, B2v], axis=1)
    Pv = jnp.repeat(eye16, 3, axis=1)
    Pm = jnp.zeros((32, 64), f32).at[:16, :16].set(eye16).at[16:, 16:].set(Pv)
    Qm = jnp.zeros((4, 64), f32).at[0, :16].set(1.0)
    Qm = Qm.at[1:, 16:].set(jnp.tile(jnp.eye(3, dtype=f32), (1, 16)))
    CP = (Cm @ Pm) * NORM
    B2P = (B2m @ Pm) * NORM
    G3 = Pv.T / 3.0

    xg, cnt = _gather_count(node_attr, dst3, src3, zeros16, ones128)

    tp = pl.pallas_call(
        _tp_body,
        grid=(EPAD // BE,),
        in_specs=[
            pl.BlockSpec((BE, IN), lambda i: (i, 0)),
            pl.BlockSpec((BE, IN), lambda i: (i, 0)),
            pl.BlockSpec((BE, 4), lambda i: (i, 0)),
            _const_spec((H, H)),
            _const_spec((1, H)),
            _const_spec((H, 256)),
            _const_spec((IN, 256)),
            _const_spec((256, 64)),
            _const_spec((IN, 64)),
            _const_spec((4, 64)),
        ],
        out_specs=pl.BlockSpec((BE, 64), lambda i: (i, 0)),
        out_shape=jax.ShapeDtypeStruct((EPAD, 64), f32),
    )(ea, xg, sh, W1, b1[None, :], Rm, Tm, CP, B2P, Qm)

    acc = _scatter_tp(tp, src3, zeros64)

    out = pl.pallas_call(
        _fin_body,
        out_shape=jax.ShapeDtypeStruct((N, 64), f32),
    )(acc, cnt, node_attr, gamma_s[None, :], gamma_v[None, :],
      beta_s[None, :], G3, Pv)
    return out

# --- scband reference (transcript-rebuilt; emitter-appended) ---
"""Pipeline reference for scband-tpcl-25323127177287 (READ-ONLY COPY).

The authoritative reference and input builder live on the scoring server;
editing this copy changes nothing except your own understanding.
"""

import jax, jax.numpy as jnp
import numpy as np

N = 10000
E = 160000
IN = 16          # in_irreps 16x0e
H = 16           # hidden_features == edge_attr dim
WN = 512         # tensor_prod.weight_numel: 16*1*16 (0e x 0e -> 0e) + 16*1*16 (0e x 1o -> 1o)
EPS = 1e-5


def setup_inputs(seed: int = 0) -> dict:
    key = jax.random.key(seed)
    ks = jax.random.split(key, 8)
    node_attr = jax.random.normal(ks[0], (N, IN), dtype=jnp.float32)
    edge_index = jax.random.randint(ks[1], (2, E), 0, N, dtype=jnp.int32)
    edge_attr = jax.random.normal(ks[2], (E, H), dtype=jnp.float32)
    edge_sh = jax.random.normal(ks[3], (E, 4), dtype=jnp.float32)
    # fc params: Linear(H,H) -> ReLU -> Dropout(eval) -> Linear(H, WN)
    W1 = jax.random.normal(ks[4], (H, H), dtype=jnp.float32) / np.sqrt(H)
    b1 = jnp.zeros((H,), jnp.float32)
    W2 = jax.random.normal(ks[5], (H, WN), dtype=jnp.float32) / np.sqrt(H)
    b2 = jnp.zeros((WN,), jnp.float32)
    # e3nn BatchNorm affine params: weight per irrep channel (16 scalar + 16 vector), bias only for scalars
    gamma_s = jnp.ones((16,), jnp.float32)
    gamma_v = jnp.ones((16,), jnp.float32)
    beta_s = jnp.zeros((16,), jnp.float32)
    return {"node_attr": node_attr, "edge_attr": edge_attr, "edge_sh": edge_sh,
            "W1": W1, "b1": b1, "W2": W2, "b2": b2,
            "gamma_s": gamma_s, "gamma_v": gamma_v, "beta_s": beta_s,
            "edge_index": edge_index}


def reference(node_attr, edge_attr, edge_sh, W1, b1, W2, b2, gamma_s, gamma_v, beta_s, edge_index):
    edge_src = edge_index[0]
    edge_dst = edge_index[1]
    # fc(edge_attr) -> per-edge tensor-product weights (Dropout is identity in eval)
    h = jax.nn.relu(edge_attr @ W1 + b1)
    w = h @ W2 + b2                       # [E, 512]
    w_s = w[:, :256].reshape(-1, IN, 16)  # path 16x0e (x) 1x0e -> 16x0e
    w_v = w[:, 256:].reshape(-1, IN, 16)  # path 16x0e (x) 1x1o -> 16x1o
    xg = jnp.take(node_attr, edge_dst, axis=0)   # gather node_attr[edge_dst]  [E,16]
    norm = 1.0 / np.sqrt(float(IN))              # e3nn path normalization (fan_in = 16*1)
    out_s = jnp.einsum('ei,eio->eo', xg, w_s) * edge_sh[:, :1] * norm              # [E,16]
    out_v = jnp.einsum('ei,eio->eo', xg, w_v)[:, :, None] * edge_sh[:, None, 1:4] * norm  # [E,16,3]
    tp = jnp.concatenate([out_s, out_v.reshape(-1, 48)], axis=1)                   # [E,64]
    # scatter-mean to source nodes (out_nodes = node_attr.shape[0], reduction='mean')
    summed = jax.ops.segment_sum(tp, edge_src, num_segments=N)
    counts = jax.ops.segment_sum(jnp.ones((tp.shape[0],), tp.dtype), edge_src, num_segments=N)
    out = summed / jnp.clip(counts, 1.0)[:, None]
    # residual: pad node_attr up to out dim and add
    out = out + jnp.pad(node_attr, ((0, 0), (0, 64 - IN)))
    # e3nn BatchNorm (training stats, normalization='component')
    s = out[:, :16]
    v = out[:, 16:].reshape(-1, 16, 3)
    s = s - jnp.mean(s, axis=0)
    s_norm = jnp.mean(s ** 2, axis=0)
    s = s * (gamma_s * jax.lax.rsqrt(s_norm + EPS)) + beta_s
    v_norm = jnp.mean(jnp.mean(v ** 2, axis=-1), axis=0)
    v = v * (gamma_v * jax.lax.rsqrt(v_norm + EPS))[None, :, None]
    return jnp.concatenate([s, v.reshape(-1, 48)], axis=1)

if __name__ == "__main__":
    import jax
    _d = setup_inputs()
    print(jax.jit(kernel)(*tuple(_d.values())))

</pallas_src>

<mosaic_0001>
#map = affine_map<(d0, d1) -> (0, 0)>
#map1 = affine_map<(d0, d1) -> (0, 0, 0)>
module attributes {stable_mosaic.version = 14 : i64} {
  func.func @_gather_count(%arg0: i32, %arg1: i32, %arg2: memref<10000x16xf32, #tpu.memory_space<hbm>>, %arg3: memref<32x40x128xi32, #tpu.memory_space<hbm>>, %arg4: memref<32x40x128xi32, #tpu.memory_space<hbm>>, %arg5: memref<10112x16xf32, #tpu.memory_space<hbm>>, %arg6: memref<128x16xf32, #tpu.memory_space<hbm>>, %arg7: memref<163840x16xf32, #tpu.memory_space<hbm>>, %arg8: memref<2x10112x16xf32, #tpu.memory_space<hbm>>, %arg9: memref<40x128xi32, #tpu.memory_space<vmem>>, %arg10: memref<40x128xi32, #tpu.memory_space<vmem>>, %arg11: memref<128x16xf32, #tpu.memory_space<vmem>>, %arg12: memref<128x16xf32, #tpu.memory_space<vmem>>, %arg13: memref<10112x16xf32, #tpu.memory_space<vmem_shared>>, %arg14: memref<!tpu.dma_semaphore, #tpu.memory_space<semaphore_mem>>) attributes {dimension_semantics = [#tpu.dimension_semantics<core_parallel>, #tpu.dimension_semantics<subcore_parallel>], iteration_bounds = array<i64: 2, 16>, scalar_prefetch = 0 : i64, scratch_operands = 6 : i64, tpu.core_type = #tpu.core_type<sc_vector_subcore>, window_params = [{transform_indices = #map}, {transform_indices = #map1}, {transform_indices = #map1}, {transform_indices = #map}, {transform_indices = #map}, {transform_indices = #map}, {transform_indices = #map1}]} {
    %mul3A = arith.constant 16 : i32
    %mul3A_0 = arith.muli %arg0, %mul3A : i32
    %add3A = arith.addi %mul3A_0, %arg1 : i32
    "tpu.region"() ({
      %run_scoped3A = tpu.sem_alloc : memref<!tpu.dma_semaphore, #tpu.memory_space<semaphore_mem>>
      %dma_start3A = arith.constant 0 : i32
      %dma_start3A_15 = arith.constant 0 : i32
      %dma_start3A_16 = tpu.memref_slice %arg3[%add3A, %dma_start3A, %dma_start3A_15] : memref<32x40x128xi32, #tpu.memory_space<hbm>> -> memref<1x40x128xi32, #tpu.memory_space<hbm>>
      %dma_start3A_17 = tpu.memref_squeeze %dma_start3A_16 : memref<1x40x128xi32, #tpu.memory_space<hbm>> -> memref<40x128xi32, #tpu.memory_space<hbm>>
      %dma_start3A_18 = arith.constant 0 : i32
      %dma_start3A_19 = arith.constant 0 : i32
      %dma_start3A_20 = tpu.memref_slice %arg3[%add3A, %dma_start3A_18, %dma_start3A_19] : memref<32x40x128xi32, #tpu.memory_space<hbm>> -> memref<1x40x128xi32, #tpu.memory_space<hbm>>
      %dma_start3A_21 = tpu.memref_squeeze %dma_start3A_20 : memref<1x40x128xi32, #tpu.memory_space<hbm>> -> memref<40x128xi32, #tpu.memory_space<hbm>>
      tpu.enqueue_dma source(%dma_start3A_21 : memref<40x128xi32, #tpu.memory_space<hbm>>) target(%arg9 : memref<40x128xi32, #tpu.memory_space<vmem>>) target_semaphore(%run_scoped3A : memref<!tpu.dma_semaphore, #tpu.memory_space<semaphore_mem>>)
      %dma_wait3A = arith.constant 0 : i32
      %dma_wait3A_22 = arith.constant 0 : i32
      %dma_wait3A_23 = tpu.memref_slice %arg3[%add3A, %dma_wait3A, %dma_wait3A_22] : memref<32x40x128xi32, #tpu.memory_space<hbm>> -> memref<1x40x128xi32, #tpu.memory_space<hbm>>
      %dma_wait3A_24 = tpu.memref_squeeze %dma_wait3A_23 : memref<1x40x128xi32, #tpu.memory_space<hbm>> -> memref<40x128xi32, #tpu.memory_space<hbm>>
      %dma_wait3A_25 = arith.constant 0 : i32
      %dma_wait3A_26 = arith.constant 0 : i32
      %dma_wait3A_27 = tpu.memref_slice %arg3[%add3A, %dma_wait3A_25, %dma_wait3A_26] : memref<32x40x128xi32, #tpu.memory_space<hbm>> -> memref<1x40x128xi32, #tpu.memory_space<hbm>>
      %dma_wait3A_28 = tpu.memref_squeeze %dma_wait3A_27 : memref<1x40x128xi32, #tpu.memory_space<hbm>> -> memref<40x128xi32, #tpu.memory_space<hbm>>
      tpu.wait_dma2 semaphore(%run_scoped3A : memref<!tpu.dma_semaphore, #tpu.memory_space<semaphore_mem>>) src(%dma_wait3A_28 : memref<40x128xi32, #tpu.memory_space<hbm>>) dst(%arg9 : memref<40x128xi32, #tpu.memory_space<vmem>>)
      tpu.yield
    }) : () -> ()
    "tpu.region"() ({
      %run_scoped3A = tpu.sem_alloc : memref<!tpu.dma_semaphore, #tpu.memory_space<semaphore_mem>>
      %dma_start3A = arith.constant 0 : i32
      %dma_start3A_15 = arith.constant 0 : i32
      %dma_start3A_16 = tpu.memref_slice %arg4[%add3A, %dma_start3A, %dma_start3A_15] : memref<32x40x128xi32, #tpu.memory_space<hbm>> -> memref<1x40x128xi32, #tpu.memory_space<hbm>>
      %dma_start3A_17 = tpu.memref_squeeze %dma_start3A_16 : memref<1x40x128xi32, #tpu.memory_space<hbm>> -> memref<40x128xi32, #tpu.memory_space<hbm>>
      %dma_start3A_18 = arith.constant 0 : i32
      %dma_start3A_19 = arith.constant 0 : i32
      %dma_start3A_20 = tpu.memref_slice %arg4[%add3A, %dma_start3A_18, %dma_start3A_19] : memref<32x40x128xi32, #tpu.memory_space<hbm>> -> memref<1x40x128xi32, #tpu.memory_space<hbm>>
      %dma_start3A_21 = tpu.memref_squeeze %dma_start3A_20 : memref<1x40x128xi32, #tpu.memory_space<hbm>> -> memref<40x128xi32, #tpu.memory_space<hbm>>
      tpu.enqueue_dma source(%dma_start3A_21 : memref<40x128xi32, #tpu.memory_space<hbm>>) target(%arg10 : memref<40x128xi32, #tpu.memory_space<vmem>>) target_semaphore(%run_scoped3A : memref<!tpu.dma_semaphore, #tpu.memory_space<semaphore_mem>>)
      %dma_wait3A = arith.constant 0 : i32
      %dma_wait3A_22 = arith.constant 0 : i32
      %dma_wait3A_23 = tpu.memref_slice %arg4[%add3A, %dma_wait3A, %dma_wait3A_22] : memref<32x40x128xi32, #tpu.memory_space<hbm>> -> memref<1x40x128xi32, #tpu.memory_space<hbm>>
      %dma_wait3A_24 = tpu.memref_squeeze %dma_wait3A_23 : memref<1x40x128xi32, #tpu.memory_space<hbm>> -> memref<40x128xi32, #tpu.memory_space<hbm>>
      %dma_wait3A_25 = arith.constant 0 : i32
      %dma_wait3A_26 = arith.constant 0 : i32
      %dma_wait3A_27 = tpu.memref_slice %arg4[%add3A, %dma_wait3A_25, %dma_wait3A_26] : memref<32x40x128xi32, #tpu.memory_space<hbm>> -> memref<1x40x128xi32, #tpu.memory_space<hbm>>
      %dma_wait3A_28 = tpu.memref_squeeze %dma_wait3A_27 : memref<1x40x128xi32, #tpu.memory_space<hbm>> -> memref<40x128xi32, #tpu.memory_space<hbm>>
      tpu.wait_dma2 semaphore(%run_scoped3A : memref<!tpu.dma_semaphore, #tpu.memory_space<semaphore_mem>>) src(%dma_wait3A_28 : memref<40x128xi32, #tpu.memory_space<hbm>>) dst(%arg10 : memref<40x128xi32, #tpu.memory_space<vmem>>)
      tpu.yield
    }) : () -> ()
    "tpu.region"() ({
      %run_scoped3A = tpu.sem_alloc : memref<!tpu.dma_semaphore, #tpu.memory_space<semaphore_mem>>
      tpu.enqueue_dma source(%arg6 : memref<128x16xf32, #tpu.memory_space<hbm>>) target(%arg12 : memref<128x16xf32, #tpu.memory_space<vmem>>) target_semaphore(%run_scoped3A : memref<!tpu.dma_semaphore, #tpu.memory_space<semaphore_mem>>)
      tpu.wait_dma2 semaphore(%run_scoped3A : memref<!tpu.dma_semaphore, #tpu.memory_space<semaphore_mem>>) src(%arg6 : memref<128x16xf32, #tpu.memory_space<hbm>>) dst(%arg12 : memref<128x16xf32, #tpu.memory_space<vmem>>)
      tpu.yield
    }) : () -> ()
    %mul3A_1 = arith.constant 632 : i32
    %mul3A_2 = arith.muli %arg1, %mul3A_1 : i32
    %mul3A_3 = arith.constant 632 : i32
    %mul3A_4 = arith.muli %arg1, %mul3A_3 : i32
    "tpu.region"() ({
      %run_scoped3A = tpu.sem_alloc : memref<!tpu.dma_semaphore, #tpu.memory_space<semaphore_mem>>
      %dma_start3A = arith.constant 0 : i32
      %dma_start3A_15 = tpu.memref_slice %arg13[%mul3A_4, %dma_start3A] : memref<10112x16xf32, #tpu.memory_space<vmem_shared>> -> memref<632x16xf32, #tpu.memory_space<vmem_shared>>
      %dma_start3A_16 = arith.constant 0 : i32
      %dma_start3A_17 = tpu.memref_slice %arg5[%mul3A_2, %dma_start3A_16] : memref<10112x16xf32, #tpu.memory_space<hbm>> -> memref<632x16xf32, #tpu.memory_space<hbm>>
      tpu.enqueue_dma source(%dma_start3A_17 : memref<632x16xf32, #tpu.memory_space<hbm>>) target(%dma_start3A_15 : memref<632x16xf32, #tpu.memory_space<vmem_shared>>) target_semaphore(%run_scoped3A : memref<!tpu.dma_semaphore, #tpu.memory_space<semaphore_mem>>)
      %dma_wait3A = arith.constant 0 : i32
      %dma_wait3A_18 = tpu.memref_slice %arg13[%mul3A_4, %dma_wait3A] : memref<10112x16xf32, #tpu.memory_space<vmem_shared>> -> memref<632x16xf32, #tpu.memory_space<vmem_shared>>
      %dma_wait3A_19 = arith.constant 0 : i32
      %dma_wait3A_20 = tpu.memref_slice %arg5[%mul3A_2, %dma_wait3A_19] : memref<10112x16xf32, #tpu.memory_space<hbm>> -> memref<632x16xf32, #tpu.memory_space<hbm>>
      tpu.wait_dma2 semaphore(%run_scoped3A : memref<!tpu.dma_semaphore, #tpu.memory_space<semaphore_mem>>) src(%dma_wait3A_20 : memref<632x16xf32, #tpu.memory_space<hbm>>) dst(%dma_wait3A_18 : memref<632x16xf32, #tpu.memory_space<vmem_shared>>)
      tpu.yield
    }) : () -> ()
    %barrier3A = arith.constant 0 : index
    tpu.barrier barrier_id(%barrier3A)
    %scan3A = arith.constant 0 : i32
    %scan3A_5 = arith.constant 0 : i32
    %scan3A_6 = arith.constant 40 : i32
    %scan3A_7 = arith.addi %scan3A_5, %scan3A_6 : i32
    %scan3A_8 = arith.constant 1 : i32
    scf.for %scan3A_15 = %scan3A_5 to %scan3A_7 step %scan3A_8  : i32 {
      %dma_start3A = arith.constant 0 : i32
      %dma_start3A_16 = tpu.memref_slice %arg9[%scan3A_15, %dma_start3A] : memref<40x128xi32, #tpu.memory_space<vmem>> -> memref<1x128xi32, #tpu.memory_space<vmem>>
      %dma_start3A_17 = tpu.memref_squeeze %dma_start3A_16 : memref<1x128xi32, #tpu.memory_space<vmem>> -> memref<128xi32, #tpu.memory_space<vmem>>
      %dma_start3A_18 = arith.constant 0 : i32
      %dma_start3A_19 = arith.constant 0 : i32
      %dma_start3A_20 = tpu.memref_slice %arg2[%dma_start3A_18, %dma_start3A_19] : memref<10000x16xf32, #tpu.memory_space<hbm>> -> memref<10000x16xf32, #tpu.memory_space<hbm>>
      tpu.enqueue_indirect_dma source(%dma_start3A_20 : memref<10000x16xf32, #tpu.memory_space<hbm>>) target(%arg11 : memref<128x16xf32, #tpu.memory_space<vmem>>) offsets(%dma_start3A_17 : memref<128xi32, #tpu.memory_space<vmem>>) semaphore(%arg14 : memref<!tpu.dma_semaphore, #tpu.memory_space<semaphore_mem>>)
      %dma_wait3A = arith.constant 0 : i32
      %dma_wait3A_21 = tpu.memref_slice %arg9[%scan3A_15, %dma_wait3A] : memref<40x128xi32, #tpu.memory_space<vmem>> -> memref<1x128xi32, #tpu.memory_space<vmem>>
      %dma_wait3A_22 = tpu.memref_squeeze %dma_wait3A_21 : memref<1x128xi32, #tpu.memory_space<vmem>> -> memref<128xi32, #tpu.memory_space<vmem>>
      %dma_wait3A_23 = arith.constant 0 : i32
      %dma_wait3A_24 = arith.constant 0 : i32
      %dma_wait3A_25 = tpu.memref_slice %arg2[%dma_wait3A_23, %dma_wait3A_24] : memref<10000x16xf32, #tpu.memory_space<hbm>> -> memref<10000x16xf32, #tpu.memory_space<hbm>>
      tpu.wait_indirect_dma semaphore(%arg14 : memref<!tpu.dma_semaphore, #tpu.memory_space<semaphore_mem>>) src(%dma_wait3A_25 : memref<10000x16xf32, #tpu.memory_space<hbm>>) dst(%arg11 : memref<128x16xf32, #tpu.memory_space<vmem>>)
      %mul3A_26 = arith.constant 5120 : i32
      %mul3A_27 = arith.muli %add3A, %mul3A_26 : i32
      %mul3A_28 = arith.constant 128 : i32
      %mul3A_29 = arith.muli %scan3A_15, %mul3A_28 : i32
      %add3A_30 = arith.addi %mul3A_27, %mul3A_29 : i32
      "tpu.region"() ({
        %run_scoped3A = tpu.sem_alloc : memref<!tpu.dma_semaphore, #tpu.memory_space<semaphore_mem>>
        %dma_start3A_31 = arith.constant 0 : i32
        %dma_start3A_32 = tpu.memref_slice %arg7[%add3A_30, %dma_start3A_31] : memref<163840x16xf32, #tpu.memory_space<hbm>> -> memref<128x16xf32, #tpu.memory_space<hbm>>
        %dma_start3A_33 = arith.constant 0 : i32
        %dma_start3A_34 = tpu.memref_slice %arg7[%add3A_30, %dma_start3A_33] : memref<163840x16xf32, #tpu.memory_space<hbm>> -> memref<128x16xf32, #tpu.memory_space<hbm>>
        tpu.enqueue_dma source(%arg11 : memref<128x16xf32, #tpu.memory_space<vmem>>) target(%dma_start3A_34 : memref<128x16xf32, #tpu.memory_space<hbm>>) target_semaphore(%run_scoped3A : memref<!tpu.dma_semaphore, #tpu.memory_space<semaphore_mem>>)
        %dma_wait3A_35 = arith.constant 0 : i32
        %dma_wait3A_36 = tpu.memref_slice %arg7[%add3A_30, %dma_wait3A_35] : memref<163840x16xf32, #tpu.memory_space<hbm>> -> memref<128x16xf32, #tpu.memory_space<hbm>>
        %dma_wait3A_37 = arith.constant 0 : i32
        %dma_wait3A_38 = tpu.memref_slice %arg7[%add3A_30, %dma_wait3A_37] : memref<163840x16xf32, #tpu.memory_space<hbm>> -> memref<128x16xf32, #tpu.memory_space<hbm>>
        tpu.wait_dma2 semaphore(%run_scoped3A : memref<!tpu.dma_semaphore, #tpu.memory_space<semaphore_mem>>) src(%arg11 : memref<128x16xf32, #tpu.memory_space<vmem>>) dst(%dma_wait3A_38 : memref<128x16xf32, #tpu.memory_space<hbm>>)
        tpu.yield
      }) : () -> ()
      "tpu.region"() ({
        %run_scoped3A = tpu.sem_alloc : memref<!tpu.dma_semaphore, #tpu.memory_space<semaphore_mem>>
        %dma_start3A_31 = arith.constant 0 : i32
        %dma_start3A_32 = tpu.memref_slice %arg10[%scan3A_15, %dma_start3A_31] : memref<40x128xi32, #tpu.memory_space<vmem>> -> memref<1x128xi32, #tpu.memory_space<vmem>>
        %dma_start3A_33 = tpu.memref_squeeze %dma_start3A_32 : memref<1x128xi32, #tpu.memory_space<vmem>> -> memref<128xi32, #tpu.memory_space<vmem>>
        %dma_start3A_34 = arith.constant 0 : i32
        %dma_start3A_35 = arith.constant 0 : i32
        %dma_start3A_36 = tpu.memref_slice %arg13[%dma_start3A_34, %dma_start3A_35] : memref<10112x16xf32, #tpu.memory_space<vmem_shared>> -> memref<10112x16xf32, #tpu.memory_space<vmem_shared>>
        tpu.enqueue_indirect_dma source(%arg12 : memref<128x16xf32, #tpu.memory_space<vmem>>) target(%dma_start3A_36 : memref<10112x16xf32, #tpu.memory_space<vmem_shared>>) offsets(%dma_start3A_33 : memref<128xi32, #tpu.memory_space<vmem>>) semaphore(%run_scoped3A : memref<!tpu.dma_semaphore, #tpu.memory_space<semaphore_mem>>) {add = true}
        %dma_wait3A_37 = arith.constant 0 : i32
        %dma_wait3A_38 = tpu.memref_slice %arg10[%scan3A_15, %dma_wait3A_37] : memref<40x128xi32, #tpu.memory_space<vmem>> -> memref<1x128xi32, #tpu.memory_space<vmem>>
        %dma_wait3A_39 = tpu.memref_squeeze %dma_wait3A_38 : memref<1x128xi32, #tpu.memory_space<vmem>> -> memref<128xi32, #tpu.memory_space<vmem>>
        %dma_wait3A_40 = arith.constant 0 : i32
        %dma_wait3A_41 = arith.constant 0 : i32
        %dma_wait3A_42 = tpu.memref_slice %arg13[%dma_wait3A_40, %dma_wait3A_41] : memref<10112x16xf32, #tpu.memory_space<vmem_shared>> -> memref<10112x16xf32, #tpu.memory_space<vmem_shared>>
        tpu.wait_indirect_dma semaphore(%run_scoped3A : memref<!tpu.dma_semaphore, #tpu.memory_space<semaphore_mem>>) src(%arg12 : memref<128x16xf32, #tpu.memory_space<vmem>>) dst(%dma_wait3A_42 : memref<10112x16xf32, #tpu.memory_space<vmem_shared>>)
        tpu.yield
      }) : () -> ()
    }
    %scan3A_9 = arith.constant 40 : i32
    %barrier3A_10 = arith.constant 0 : index
    tpu.barrier barrier_id(%barrier3A_10)
    %mul3A_11 = arith.constant 632 : i32
    %mul3A_12 = arith.muli %arg1, %mul3A_11 : i32
    %mul3A_13 = arith.constant 632 : i32
    %mul3A_14 = arith.muli %arg1, %mul3A_13 : i32
    "tpu.region"() ({
      %run_scoped3A = tpu.sem_alloc : memref<!tpu.dma_semaphore, #tpu.memory_space<semaphore_mem>>
      %dma_start3A = arith.constant 0 : i32
      %dma_start3A_15 = tpu.memref_slice %arg8[%arg0, %mul3A_14, %dma_start3A] : memref<2x10112x16xf32, #tpu.memory_space<hbm>> -> memref<1x632x16xf32, #tpu.memory_space<hbm>>
      %dma_start3A_16 = tpu.memref_squeeze %dma_start3A_15 : memref<1x632x16xf32, #tpu.memory_space<hbm>> -> memref<632x16xf32, #tpu.memory_space<hbm>>
      %dma_start3A_17 = arith.constant 0 : i32
      %dma_start3A_18 = tpu.memref_slice %arg13[%mul3A_12, %dma_start3A_17] : memref<10112x16xf32, #tpu.memory_space<vmem_shared>> -> memref<632x16xf32, #tpu.memory_space<vmem_shared>>
      tpu.enqueue_dma source(%dma_start3A_18 : memref<632x16xf32, #tpu.memory_space<vmem_shared>>) target(%dma_start3A_16 : memref<632x16xf32, #tpu.memory_space<hbm>>) target_semaphore(%run_scoped3A : memref<!tpu.dma_semaphore, #tpu.memory_space<semaphore_mem>>)
      %dma_wait3A = arith.constant 0 : i32
      %dma_wait3A_19 = tpu.memref_slice %arg8[%arg0, %mul3A_14, %dma_wait3A] : memref<2x10112x16xf32, #tpu.memory_space<hbm>> -> memref<1x632x16xf32, #tpu.memory_space<hbm>>
      %dma_wait3A_20 = tpu.memref_squeeze %dma_wait3A_19 : memref<1x632x16xf32, #tpu.memory_space<hbm>> -> memref<632x16xf32, #tpu.memory_space<hbm>>
      %dma_wait3A_21 = arith.constant 0 : i32
      %dma_wait3A_22 = tpu.memref_slice %arg13[%mul3A_12, %dma_wait3A_21] : memref<10112x16xf32, #tpu.memory_space<vmem_shared>> -> memref<632x16xf32, #tpu.memory_space<vmem_shared>>
      tpu.wait_dma2 semaphore(%run_scoped3A : memref<!tpu.dma_semaphore, #tpu.memory_space<semaphore_mem>>) src(%dma_wait3A_22 : memref<632x16xf32, #tpu.memory_space<vmem_shared>>) dst(%dma_wait3A_20 : memref<632x16xf32, #tpu.memory_space<hbm>>)
      tpu.yield
    }) : () -> ()
    return
  }
}

#map = affine_map<(d0, d1) -> (0, 0)>
#map1 = affine_map<(d0, d1) -> (0, 0, 0)>
module attributes {stable_mosaic.version = 14 : i64} {
  func.func @_scatter_tp(%arg0: i32, %arg1: i32, %arg2: memref<163840x64xf32, #tpu.memory_space<hbm>>, %arg3: memref<32x40x128xi32, #tpu.memory_space<hbm>>, %arg4: memref<10112x64xf32, #tpu.memory_space<hbm>>, %arg5: memref<2x10112x64xf32, #tpu.memory_space<hbm>>, %arg6: memref<40x128xi32, #tpu.memory_space<vmem>>, %arg7: memref<128x64xf32, #tpu.memory_space<vmem>>, %arg8: memref<10112x64xf32, #tpu.memory_space<vmem_shared>>, %arg9: memref<!tpu.dma_semaphore, #tpu.memory_space<semaphore_mem>>) attributes {dimension_semantics = [#tpu.dimension_semantics<core_parallel>, #tpu.dimension_semantics<subcore_parallel>], iteration_bounds = array<i64: 2, 16>, scalar_prefetch = 0 : i64, scratch_operands = 4 : i64, tpu.core_type = #tpu.core_type<sc_vector_subcore>, window_params = [{transform_indices = #map}, {transform_indices = #map1}, {transform_indices = #map}, {transform_indices = #map1}]} {
    %mul3A = arith.constant 16 : i32
    %mul3A_0 = arith.muli %arg0, %mul3A : i32
    %add3A = arith.addi %mul3A_0, %arg1 : i32
    "tpu.region"() ({
      %run_scoped3A = tpu.sem_alloc : memref<!tpu.dma_semaphore, #tpu.memory_space<semaphore_mem>>
      %dma_start3A = arith.constant 0 : i32
      %dma_start3A_15 = arith.constant 0 : i32
      %dma_start3A_16 = tpu.memref_slice %arg3[%add3A, %dma_start3A, %dma_start3A_15] : memref<32x40x128xi32, #tpu.memory_space<hbm>> -> memref<1x40x128xi32, #tpu.memory_space<hbm>>
      %dma_start3A_17 = tpu.memref_squeeze %dma_start3A_16 : memref<1x40x128xi32, #tpu.memory_space<hbm>> -> memref<40x128xi32, #tpu.memory_space<hbm>>
      %dma_start3A_18 = arith.constant 0 : i32
      %dma_start3A_19 = arith.constant 0 : i32
      %dma_start3A_20 = tpu.memref_slice %arg3[%add3A, %dma_start3A_18, %dma_start3A_19] : memref<32x40x128xi32, #tpu.memory_space<hbm>> -> memref<1x40x128xi32, #tpu.memory_space<hbm>>
      %dma_start3A_21 = tpu.memref_squeeze %dma_start3A_20 : memref<1x40x128xi32, #tpu.memory_space<hbm>> -> memref<40x128xi32, #tpu.memory_space<hbm>>
      tpu.enqueue_dma source(%dma_start3A_21 : memref<40x128xi32, #tpu.memory_space<hbm>>) target(%arg6 : memref<40x128xi32, #tpu.memory_space<vmem>>) target_semaphore(%run_scoped3A : memref<!tpu.dma_semaphore, #tpu.memory_space<semaphore_mem>>)
      %dma_wait3A = arith.constant 0 : i32
      %dma_wait3A_22 = arith.constant 0 : i32
      %dma_wait3A_23 = tpu.memref_slice %arg3[%add3A, %dma_wait3A, %dma_wait3A_22] : memref<32x40x128xi32, #tpu.memory_space<hbm>> -> memref<1x40x128xi32, #tpu.memory_space<hbm>>
      %dma_wait3A_24 = tpu.memref_squeeze %dma_wait3A_23 : memref<1x40x128xi32, #tpu.memory_space<hbm>> -> memref<40x128xi32, #tpu.memory_space<hbm>>
      %dma_wait3A_25 = arith.constant 0 : i32
      %dma_wait3A_26 = arith.constant 0 : i32
      %dma_wait3A_27 = tpu.memref_slice %arg3[%add3A, %dma_wait3A_25, %dma_wait3A_26] : memref<32x40x128xi32, #tpu.memory_space<hbm>> -> memref<1x40x128xi32, #tpu.memory_space<hbm>>
      %dma_wait3A_28 = tpu.memref_squeeze %dma_wait3A_27 : memref<1x40x128xi32, #tpu.memory_space<hbm>> -> memref<40x128xi32, #tpu.memory_space<hbm>>
      tpu.wait_dma2 semaphore(%run_scoped3A : memref<!tpu.dma_semaphore, #tpu.memory_space<semaphore_mem>>) src(%dma_wait3A_28 : memref<40x128xi32, #tpu.memory_space<hbm>>) dst(%arg6 : memref<40x128xi32, #tpu.memory_space<vmem>>)
      tpu.yield
    }) : () -> ()
    %mul3A_1 = arith.constant 632 : i32
    %mul3A_2 = arith.muli %arg1, %mul3A_1 : i32
    %mul3A_3 = arith.constant 632 : i32
    %mul3A_4 = arith.muli %arg1, %mul3A_3 : i32
    "tpu.region"() ({
      %run_scoped3A = tpu.sem_alloc : memref<!tpu.dma_semaphore, #tpu.memory_space<semaphore_mem>>
      %dma_start3A = arith.constant 0 : i32
      %dma_start3A_15 = tpu.memref_slice %arg8[%mul3A_4, %dma_start3A] : memref<10112x64xf32, #tpu.memory_space<vmem_shared>> -> memref<632x64xf32, #tpu.memory_space<vmem_shared>>
      %dma_start3A_16 = arith.constant 0 : i32
      %dma_start3A_17 = tpu.memref_slice %arg4[%mul3A_2, %dma_start3A_16] : memref<10112x64xf32, #tpu.memory_space<hbm>> -> memref<632x64xf32, #tpu.memory_space<hbm>>
      tpu.enqueue_dma source(%dma_start3A_17 : memref<632x64xf32, #tpu.memory_space<hbm>>) target(%dma_start3A_15 : memref<632x64xf32, #tpu.memory_space<vmem_shared>>) target_semaphore(%run_scoped3A : memref<!tpu.dma_semaphore, #tpu.memory_space<semaphore_mem>>)
      %dma_wait3A = arith.constant 0 : i32
      %dma_wait3A_18 = tpu.memref_slice %arg8[%mul3A_4, %dma_wait3A] : memref<10112x64xf32, #tpu.memory_space<vmem_shared>> -> memref<632x64xf32, #tpu.memory_space<vmem_shared>>
      %dma_wait3A_19 = arith.constant 0 : i32
      %dma_wait3A_20 = tpu.memref_slice %arg4[%mul3A_2, %dma_wait3A_19] : memref<10112x64xf32, #tpu.memory_space<hbm>> -> memref<632x64xf32, #tpu.memory_space<hbm>>
      tpu.wait_dma2 semaphore(%run_scoped3A : memref<!tpu.dma_semaphore, #tpu.memory_space<semaphore_mem>>) src(%dma_wait3A_20 : memref<632x64xf32, #tpu.memory_space<hbm>>) dst(%dma_wait3A_18 : memref<632x64xf32, #tpu.memory_space<vmem_shared>>)
      tpu.yield
    }) : () -> ()
    %barrier3A = arith.constant 0 : index
    tpu.barrier barrier_id(%barrier3A)
    %scan3A = arith.constant 0 : i32
    %scan3A_5 = arith.constant 0 : i32
    %scan3A_6 = arith.constant 40 : i32
    %scan3A_7 = arith.addi %scan3A_5, %scan3A_6 : i32
    %scan3A_8 = arith.constant 1 : i32
    scf.for %scan3A_15 = %scan3A_5 to %scan3A_7 step %scan3A_8  : i32 {
      %mul3A_16 = arith.constant 5120 : i32
      %mul3A_17 = arith.muli %add3A, %mul3A_16 : i32
      %mul3A_18 = arith.constant 128 : i32
      %mul3A_19 = arith.muli %scan3A_15, %mul3A_18 : i32
      %add3A_20 = arith.addi %mul3A_17, %mul3A_19 : i32
      "tpu.region"() ({
        %run_scoped3A = tpu.sem_alloc : memref<!tpu.dma_semaphore, #tpu.memory_space<semaphore_mem>>
        %dma_start3A = arith.constant 0 : i32
        %dma_start3A_21 = tpu.memref_slice %arg2[%add3A_20, %dma_start3A] : memref<163840x64xf32, #tpu.memory_space<hbm>> -> memref<128x64xf32, #tpu.memory_space<hbm>>
        %dma_start3A_22 = arith.constant 0 : i32
        %dma_start3A_23 = tpu.memref_slice %arg2[%add3A_20, %dma_start3A_22] : memref<163840x64xf32, #tpu.memory_space<hbm>> -> memref<128x64xf32, #tpu.memory_space<hbm>>
        tpu.enqueue_dma source(%dma_start3A_23 : memref<128x64xf32, #tpu.memory_space<hbm>>) target(%arg7 : memref<128x64xf32, #tpu.memory_space<vmem>>) target_semaphore(%run_scoped3A : memref<!tpu.dma_semaphore, #tpu.memory_space<semaphore_mem>>)
        %dma_wait3A = arith.constant 0 : i32
        %dma_wait3A_24 = tpu.memref_slice %arg2[%add3A_20, %dma_wait3A] : memref<163840x64xf32, #tpu.memory_space<hbm>> -> memref<128x64xf32, #tpu.memory_space<hbm>>
        %dma_wait3A_25 = arith.constant 0 : i32
        %dma_wait3A_26 = tpu.memref_slice %arg2[%add3A_20, %dma_wait3A_25] : memref<163840x64xf32, #tpu.memory_space<hbm>> -> memref<128x64xf32, #tpu.memory_space<hbm>>
        tpu.wait_dma2 semaphore(%run_scoped3A : memref<!tpu.dma_semaphore, #tpu.memory_space<semaphore_mem>>) src(%dma_wait3A_26 : memref<128x64xf32, #tpu.memory_space<hbm>>) dst(%arg7 : memref<128x64xf32, #tpu.memory_space<vmem>>)
        tpu.yield
      }) : () -> ()
      "tpu.region"() ({
        %run_scoped3A = tpu.sem_alloc : memref<!tpu.dma_semaphore, #tpu.memory_space<semaphore_mem>>
        %dma_start3A = arith.constant 0 : i32
        %dma_start3A_21 = tpu.memref_slice %arg6[%scan3A_15, %dma_start3A] : memref<40x128xi32, #tpu.memory_space<vmem>> -> memref<1x128xi32, #tpu.memory_space<vmem>>
        %dma_start3A_22 = tpu.memref_squeeze %dma_start3A_21 : memref<1x128xi32, #tpu.memory_space<vmem>> -> memref<128xi32, #tpu.memory_space<vmem>>
        %dma_start3A_23 = arith.constant 0 : i32
        %dma_start3A_24 = arith.constant 0 : i32
        %dma_start3A_25 = tpu.memref_slice %arg8[%dma_start3A_23, %dma_start3A_24] : memref<10112x64xf32, #tpu.memory_space<vmem_shared>> -> memref<10112x64xf32, #tpu.memory_space<vmem_shared>>
        tpu.enqueue_indirect_dma source(%arg7 : memref<128x64xf32, #tpu.memory_space<vmem>>) target(%dma_start3A_25 : memref<10112x64xf32, #tpu.memory_space<vmem_shared>>) offsets(%dma_start3A_22 : memref<128xi32, #tpu.memory_space<vmem>>) semaphore(%run_scoped3A : memref<!tpu.dma_semaphore, #tpu.memory_space<semaphore_mem>>) {add = true}
        %dma_wait3A = arith.constant 0 : i32
        %dma_wait3A_26 = tpu.memref_slice %arg6[%scan3A_15, %dma_wait3A] : memref<40x128xi32, #tpu.memory_space<vmem>> -> memref<1x128xi32, #tpu.memory_space<vmem>>
        %dma_wait3A_27 = tpu.memref_squeeze %dma_wait3A_26 : memref<1x128xi32, #tpu.memory_space<vmem>> -> memref<128xi32, #tpu.memory_space<vmem>>
        %dma_wait3A_28 = arith.constant 0 : i32
        %dma_wait3A_29 = arith.constant 0 : i32
        %dma_wait3A_30 = tpu.memref_slice %arg8[%dma_wait3A_28, %dma_wait3A_29] : memref<10112x64xf32, #tpu.memory_space<vmem_shared>> -> memref<10112x64xf32, #tpu.memory_space<vmem_shared>>
        tpu.wait_indirect_dma semaphore(%run_scoped3A : memref<!tpu.dma_semaphore, #tpu.memory_space<semaphore_mem>>) src(%arg7 : memref<128x64xf32, #tpu.memory_space<vmem>>) dst(%dma_wait3A_30 : memref<10112x64xf32, #tpu.memory_space<vmem_shared>>)
        tpu.yield
      }) : () -> ()
    }
    %scan3A_9 = arith.constant 40 : i32
    %barrier3A_10 = arith.constant 0 : index
    tpu.barrier barrier_id(%barrier3A_10)
    %mul3A_11 = arith.constant 632 : i32
    %mul3A_12 = arith.muli %arg1, %mul3A_11 : i32
    %mul3A_13 = arith.constant 632 : i32
    %mul3A_14 = arith.muli %arg1, %mul3A_13 : i32
    "tpu.region"() ({
      %run_scoped3A = tpu.sem_alloc : memref<!tpu.dma_semaphore, #tpu.memory_space<semaphore_mem>>
      %dma_start3A = arith.constant 0 : i32
      %dma_start3A_15 = tpu.memref_slice %arg5[%arg0, %mul3A_14, %dma_start3A] : memref<2x10112x64xf32, #tpu.memory_space<hbm>> -> memref<1x632x64xf32, #tpu.memory_space<hbm>>
      %dma_start3A_16 = tpu.memref_squeeze %dma_start3A_15 : memref<1x632x64xf32, #tpu.memory_space<hbm>> -> memref<632x64xf32, #tpu.memory_space<hbm>>
      %dma_start3A_17 = arith.constant 0 : i32
      %dma_start3A_18 = tpu.memref_slice %arg8[%mul3A_12, %dma_start3A_17] : memref<10112x64xf32, #tpu.memory_space<vmem_shared>> -> memref<632x64xf32, #tpu.memory_space<vmem_shared>>
      tpu.enqueue_dma source(%dma_start3A_18 : memref<632x64xf32, #tpu.memory_space<vmem_shared>>) target(%dma_start3A_16 : memref<632x64xf32, #tpu.memory_space<hbm>>) target_semaphore(%run_scoped3A : memref<!tpu.dma_semaphore, #tpu.memory_space<semaphore_mem>>)
      %dma_wait3A = arith.constant 0 : i32
      %dma_wait3A_19 = tpu.memref_slice %arg5[%arg0, %mul3A_14, %dma_wait3A] : memref<2x10112x64xf32, #tpu.memory_space<hbm>> -> memref<1x632x64xf32, #tpu.memory_space<hbm>>
      %dma_wait3A_20 = tpu.memref_squeeze %dma_wait3A_19 : memref<1x632x64xf32, #tpu.memory_space<hbm>> -> memref<632x64xf32, #tpu.memory_space<hbm>>
      %dma_wait3A_21 = arith.constant 0 : i32
      %dma_wait3A_22 = tpu.memref_slice %arg8[%mul3A_12, %dma_wait3A_21] : memref<10112x64xf32, #tpu.memory_space<vmem_shared>> -> memref<632x64xf32, #tpu.memory_space<vmem_shared>>
      tpu.wait_dma2 semaphore(%run_scoped3A : memref<!tpu.dma_semaphore, #tpu.memory_space<semaphore_mem>>) src(%dma_wait3A_22 : memref<632x64xf32, #tpu.memory_space<vmem_shared>>) dst(%dma_wait3A_20 : memref<632x64xf32, #tpu.memory_space<hbm>>)
      tpu.yield
    }) : () -> ()
    return
  }
}

module attributes {stable_mosaic.version = 14 : i64} {
  func.func @_tp_body(%arg0: i32, %arg1: memref<2048x16xf32, #tpu.memory_space<vmem>>, %arg2: memref<2048x16xf32, #tpu.memory_space<vmem>>, %arg3: memref<2048x4xf32, #tpu.memory_space<vmem>>, %arg4: memref<16x16xf32, #tpu.memory_space<vmem>>, %arg5: memref<1x16xf32, #tpu.memory_space<vmem>>, %arg6: memref<16x256xf32, #tpu.memory_space<vmem>>, %arg7: memref<16x256xf32, #tpu.memory_space<vmem>>, %arg8: memref<256x64xf32, #tpu.memory_space<vmem>>, %arg9: memref<16x64xf32, #tpu.memory_space<vmem>>, %arg10: memref<4x64xf32, #tpu.memory_space<vmem>>, %arg11: memref<2048x64xf32, #tpu.memory_space<vmem>>) attributes {dimension_semantics = [#tpu.dimension_semantics<arbitrary>], iteration_bounds = array<i64: 80>, scalar_prefetch = 0 : i64, scratch_operands = 0 : i64, tpu.core_type = #tpu.core_type<tc>, window_params = [{transform_indices = @transform_0, window_bounds = array<i64: 2048, 16>}, {transform_indices = @transform_1, window_bounds = array<i64: 2048, 16>}, {transform_indices = @transform_2, window_bounds = array<i64: 2048, 4>}, {pipeline_mode = #tpu.pipeline_mode<synchronous>, transform_indices = @transform_3, window_bounds = array<i64: 16, 16>}, {pipeline_mode = #tpu.pipeline_mode<synchronous>, transform_indices = @transform_4, window_bounds = array<i64: 1, 16>}, {pipeline_mode = #tpu.pipeline_mode<synchronous>, transform_indices = @transform_5, window_bounds = array<i64: 16, 256>}, {pipeline_mode = #tpu.pipeline_mode<synchronous>, transform_indices = @transform_6, window_bounds = array<i64: 16, 256>}, {pipeline_mode = #tpu.pipeline_mode<synchronous>, transform_indices = @transform_7, window_bounds = array<i64: 256, 64>}, {pipeline_mode = #tpu.pipeline_mode<synchronous>, transform_indices = @transform_8, window_bounds = array<i64: 16, 64>}, {pipeline_mode = #tpu.pipeline_mode<synchronous>, transform_indices = @transform_9, window_bounds = array<i64: 4, 64>}, {transform_indices = @transform_10, window_bounds = array<i64: 2048, 64>}]} {
    %get3A = arith.constant 0 : index
    %get3A_0 = arith.constant 0 : index
    %get3A_1 = vector.load %arg1[%get3A, %get3A_0] : memref<2048x16xf32, #tpu.memory_space<vmem>>, vector<2048x16xf32>
    %get3A_2 = arith.constant 0 : index
    %get3A_3 = arith.constant 0 : index
    %get3A_4 = vector.load %arg4[%get3A_2, %get3A_3] : memref<16x16xf32, #tpu.memory_space<vmem>>, vector<16x16xf32>
    %dot_general3A = arith.constant dense<0.000000e+00> : vector<2048x16xf32>
    %dot_general3A_5 = tpu.matmul %get3A_1, %get3A_4, %dot_general3A {dimension_numbers = #tpu.dot_dimension_numbers<[1], [0], [0], [1], [0, 0, 1, 1], [], []>, transpose_lhs_hint = false} : vector<2048x16xf32>, vector<16x16xf32>, vector<2048x16xf32> -> vector<2048x16xf32>
    %get3A_6 = arith.constant 0 : index
    %get3A_7 = arith.constant 0 : index
    %get3A_8 = vector.load %arg5[%get3A_6, %get3A_7] : memref<1x16xf32, #tpu.memory_space<vmem>>, vector<1x16xf32>
    %add3A = vector.broadcast %get3A_8 : vector<1x16xf32> to vector<2048x16xf32>
    %add3A_9 = arith.addf %dot_general3A_5, %add3A : vector<2048x16xf32>
    %max3A = arith.constant 0.000000e+00 : f32
    %max3A_10 = vector.broadcast %max3A : f32 to vector<2048x16xf32>
    %max3A_11 = arith.maximumf %add3A_9, %max3A_10 : vector<2048x16xf32>
    %get3A_12 = arith.constant 0 : index
    %get3A_13 = arith.constant 0 : index
    %get3A_14 = vector.load %arg6[%get3A_12, %get3A_13] : memref<16x256xf32, #tpu.memory_space<vmem>>, vector<16x256xf32>
    %dot_general3A_15 = arith.constant dense<0.000000e+00> : vector<2048x256xf32>
    %dot_general3A_16 = tpu.matmul %max3A_11, %get3A_14, %dot_general3A_15 {dimension_numbers = #tpu.dot_dimension_numbers<[1], [0], [0], [1], [0, 0, 1, 1], [], []>, transpose_lhs_hint = false} : vector<2048x16xf32>, vector<16x256xf32>, vector<2048x256xf32> -> vector<2048x256xf32>
    %get3A_17 = arith.constant 0 : index
    %get3A_18 = arith.constant 0 : index
    %get3A_19 = vector.load %arg2[%get3A_17, %get3A_18] : memref<2048x16xf32, #tpu.memory_space<vmem>>, vector<2048x16xf32>
    %get3A_20 = arith.constant 0 : index
    %get3A_21 = arith.constant 0 : index
    %get3A_22 = vector.load %arg7[%get3A_20, %get3A_21] : memref<16x256xf32, #tpu.memory_space<vmem>>, vector<16x256xf32>
    %dot_general3A_23 = arith.constant dense<0.000000e+00> : vector<2048x256xf32>
    %dot_general3A_24 = tpu.matmul %get3A_19, %get3A_22, %dot_general3A_23 {dimension_numbers = #tpu.dot_dimension_numbers<[1], [0], [0], [1], [0, 0, 1, 1], [], []>, transpose_lhs_hint = false} : vector<2048x16xf32>, vector<16x256xf32>, vector<2048x256xf32> -> vector<2048x256xf32>
    %mul3A = arith.mulf %dot_general3A_16, %dot_general3A_24 : vector<2048x256xf32>
    %get3A_25 = arith.constant 0 : index
    %get3A_26 = arith.constant 0 : index
    %get3A_27 = vector.load %arg8[%get3A_25, %get3A_26] : memref<256x64xf32, #tpu.memory_space<vmem>>, vector<256x64xf32>
    %dot_general3A_28 = arith.constant dense<0.000000e+00> : vector<2048x64xf32>
    %dot_general3A_29 = tpu.matmul %mul3A, %get3A_27, %dot_general3A_28 {dimension_numbers = #tpu.dot_dimension_numbers<[1], [0], [0], [1], [0, 0, 1, 1], [], []>, transpose_lhs_hint = false} : vector<2048x256xf32>, vector<256x64xf32>, vector<2048x64xf32> -> vector<2048x64xf32>
    %get3A_30 = arith.constant 0 : index
    %get3A_31 = arith.constant 0 : index
    %get3A_32 = vector.load %arg2[%get3A_30, %get3A_31] : memref<2048x16xf32, #tpu.memory_space<vmem>>, vector<2048x16xf32>
    %get3A_33 = arith.constant 0 : index
    %get3A_34 = arith.constant 0 : index
    %get3A_35 = vector.load %arg9[%get3A_33, %get3A_34] : memref<16x64xf32, #tpu.memory_space<vmem>>, vector<16x64xf32>
    %dot_general3A_36 = arith.constant dense<0.000000e+00> : vector<2048x64xf32>
    %dot_general3A_37 = tpu.matmul %get3A_32, %get3A_35, %dot_general3A_36 {dimension_numbers = #tpu.dot_dimension_numbers<[1], [0], [0], [1], [0, 0, 1, 1], [], []>, transpose_lhs_hint = false} : vector<2048x16xf32>, vector<16x64xf32>, vector<2048x64xf32> -> vector<2048x64xf32>
    %add3A_38 = arith.addf %dot_general3A_29, %dot_general3A_37 : vector<2048x64xf32>
    %get3A_39 = arith.constant 0 : index
    %get3A_40 = arith.constant 0 : index
    %get3A_41 = vector.load %arg3[%get3A_39, %get3A_40] : memref<2048x4xf32, #tpu.memory_space<vmem>>, vector<2048x4xf32>
    %get3A_42 = arith.constant 0 : index
    %get3A_43 = arith.constant 0 : index
    %get3A_44 = vector.load %arg10[%get3A_42, %get3A_43] : memref<4x64xf32, #tpu.memory_space<vmem>>, vector<4x64xf32>
    %dot_general3A_45 = arith.constant dense<0.000000e+00> : vector<2048x64xf32>
    %dot_general3A_46 = tpu.matmul %get3A_41, %get3A_44, %dot_general3A_45 {dimension_numbers = #tpu.dot_dimension_numbers<[1], [0], [0], [1], [0, 0, 1, 1], [], []>, transpose_lhs_hint = false} : vector<2048x4xf32>, vector<4x64xf32>, vector<2048x64xf32> -> vector<2048x64xf32>
    %mul3A_47 = arith.mulf %add3A_38, %dot_general3A_46 : vector<2048x64xf32>
    %swap3A = arith.constant 0 : index
    %swap3A_48 = arith.constant 0 : index
    %swap3A_49 = vector.load %arg11[%swap3A, %swap3A_48] : memref<2048x64xf32, #tpu.memory_space<vmem>>, vector<2048x64xf32>
    tpu.vector_store %arg11[%swap3A, %swap3A_48], %mul3A_47 {strides = array<i32>} : memref<2048x64xf32, #tpu.memory_space<vmem>>, vector<2048x64xf32>,
    return
  }
  func.func @transform_0(%arg0: i32) -> (i32, i32) {
    %c0_i32 = arith.constant 0 : i32
    %c0_i32_0 = arith.constant 0 : i32
    return %arg0, %c0_i32 : i32, i32
  }
  func.func @transform_1(%arg0: i32) -> (i32, i32) {
    %c0_i32 = arith.constant 0 : i32
    %c0_i32_0 = arith.constant 0 : i32
    return %arg0, %c0_i32 : i32, i32
  }
  func.func @transform_2(%arg0: i32) -> (i32, i32) {
    %c0_i32 = arith.constant 0 : i32
    %c0_i32_0 = arith.constant 0 : i32
    return %arg0, %c0_i32 : i32, i32
  }
  func.func @transform_3(%arg0: i32) -> (i32, i32) {
    %c0_i32 = arith.constant 0 : i32
    %c0_i32_0 = arith.constant 0 : i32
    %c0_i32_1 = arith.constant 0 : i32
    return %c0_i32, %c0_i32_0 : i32, i32
  }
  func.func @transform_4(%arg0: i32) -> (i32, i32) {
    %c0_i32 = arith.constant 0 : i32
    %c0_i32_0 = arith.constant 0 : i32
    %c0_i32_1 = arith.constant 0 : i32
    return %c0_i32, %c0_i32_0 : i32, i32
  }
  func.func @transform_5(%arg0: i32) -> (i32, i32) {
    %c0_i32 = arith.constant 0 : i32
    %c0_i32_0 = arith.constant 0 : i32
    %c0_i32_1 = arith.constant 0 : i32
    return %c0_i32, %c0_i32_0 : i32, i32
  }
  func.func @transform_6(%arg0: i32) -> (i32, i32) {
    %c0_i32 = arith.constant 0 : i32
    %c0_i32_0 = arith.constant 0 : i32
    %c0_i32_1 = arith.constant 0 : i32
    return %c0_i32, %c0_i32_0 : i32, i32
  }
  func.func @transform_7(%arg0: i32) -> (i32, i32) {
    %c0_i32 = arith.constant 0 : i32
    %c0_i32_0 = arith.constant 0 : i32
    %c0_i32_1 = arith.constant 0 : i32
    return %c0_i32, %c0_i32_0 : i32, i32
  }
  func.func @transform_8(%arg0: i32) -> (i32, i32) {
    %c0_i32 = arith.constant 0 : i32
    %c0_i32_0 = arith.constant 0 : i32
    %c0_i32_1 = arith.constant 0 : i32
    return %c0_i32, %c0_i32_0 : i32, i32
  }
  func.func @transform_9(%arg0: i32) -> (i32, i32) {
    %c0_i32 = arith.constant 0 : i32
    %c0_i32_0 = arith.constant 0 : i32
    %c0_i32_1 = arith.constant 0 : i32
    return %c0_i32, %c0_i32_0 : i32, i32
  }
  func.func @transform_10(%arg0: i32) -> (i32, i32) {
    %c0_i32 = arith.constant 0 : i32
    %c0_i32_0 = arith.constant 0 : i32
    return %arg0, %c0_i32 : i32, i32
  }
}

module attributes {stable_mosaic.version = 14 : i64} {
  func.func @_fin_body(%arg0: memref<2x10112x64xf32, #tpu.memory_space<vmem>>, %arg1: memref<2x10112x16xf32, #tpu.memory_space<vmem>>, %arg2: memref<10000x16xf32, #tpu.memory_space<vmem>>, %arg3: memref<1x16xf32, #tpu.memory_space<vmem>>, %arg4: memref<1x16xf32, #tpu.memory_space<vmem>>, %arg5: memref<1x16xf32, #tpu.memory_space<vmem>>, %arg6: memref<48x16xf32, #tpu.memory_space<vmem>>, %arg7: memref<16x48xf32, #tpu.memory_space<vmem>>, %arg8: memref<10000x64xf32, #tpu.memory_space<vmem>>) attributes {dimension_semantics = [], scalar_prefetch = 0 : i64, scratch_operands = 0 : i64, tpu.core_type = #tpu.core_type<tc>} {
    %get3A = arith.constant 0 : index
    %get3A_0 = arith.constant 0 : index
    %get3A_1 = arith.constant 0 : index
    %get3A_2 = vector.load %arg0[%get3A, %get3A_0, %get3A_1] : memref<2x10112x64xf32, #tpu.memory_space<vmem>>, vector<1x10000x64xf32>
    %get3A_3 = vector.shape_cast %get3A_2 : vector<1x10000x64xf32> to vector<10000x64xf32>
    %get3A_4 = arith.constant 1 : index
    %get3A_5 = arith.constant 0 : index
    %get3A_6 = arith.constant 0 : index
    %get3A_7 = vector.load %arg0[%get3A_4, %get3A_5, %get3A_6] : memref<2x10112x64xf32, #tpu.memory_space<vmem>>, vector<1x10000x64xf32>
    %get3A_8 = vector.shape_cast %get3A_7 : vector<1x10000x64xf32> to vector<10000x64xf32>
    %add3A = arith.addf %get3A_3, %get3A_8 : vector<10000x64xf32>
    %get3A_9 = arith.constant 0 : index
    %get3A_10 = arith.constant 0 : index
    %get3A_11 = arith.constant 0 : index
    %get3A_12 = vector.load %arg1[%get3A_9, %get3A_10, %get3A_11] : memref<2x10112x16xf32, #tpu.memory_space<vmem>>, vector<1x10000x16xf32>
    %get3A_13 = vector.shape_cast %get3A_12 : vector<1x10000x16xf32> to vector<10000x16xf32>
    %get3A_14 = arith.constant 1 : index
    %get3A_15 = arith.constant 0 : index
    %get3A_16 = arith.constant 0 : index
    %get3A_17 = vector.load %arg1[%get3A_14, %get3A_15, %get3A_16] : memref<2x10112x16xf32, #tpu.memory_space<vmem>>, vector<1x10000x16xf32>
    %get3A_18 = vector.shape_cast %get3A_17 : vector<1x10000x16xf32> to vector<10000x16xf32>
    %add3A_19 = arith.addf %get3A_13, %get3A_18 : vector<10000x16xf32>
    %slice3A = vector.extract_strided_slice %add3A_19 {offsets = [0, 0], sizes = [10000, 1], strides = [1, 1]} : vector<10000x16xf32> to vector<10000x1xf32>
    %max3A = arith.constant 1.000000e+00 : f32
    %max3A_20 = vector.broadcast %max3A : f32 to vector<10000x1xf32>
    %max3A_21 = arith.maximumf %slice3A, %max3A_20 : vector<10000x1xf32>
    %div3A = vector.broadcast %max3A_21 : vector<10000x1xf32> to vector<10000x64xf32>
    %div3A_22 = arith.divf %add3A, %div3A : vector<10000x64xf32>
    %slice3A_23 = vector.extract_strided_slice %div3A_22 {offsets = [0, 0], sizes = [10000, 16], strides = [1, 1]} : vector<10000x64xf32> to vector<10000x16xf32>
    %get3A_24 = arith.constant 0 : index
    %get3A_25 = arith.constant 0 : index
    %get3A_26 = vector.load %arg2[%get3A_24, %get3A_25] : memref<10000x16xf32, #tpu.memory_space<vmem>>, vector<10000x16xf32>
    %add3A_27 = arith.addf %slice3A_23, %get3A_26 : vector<10000x16xf32>
    %slice3A_28 = vector.extract_strided_slice %div3A_22 {offsets = [0, 16], sizes = [10000, 48], strides = [1, 1]} : vector<10000x64xf32> to vector<10000x48xf32>
    %reduce_sum3A = arith.constant dense<0.000000e+00> : vector<16xf32>
    %reduce_sum3A_29 = vector.multi_reduction <add>, %add3A_27, %reduce_sum3A [0] : vector<10000x16xf32> to vector<16xf32>
    %broadcast_in_dim3A = vector.shape_cast %reduce_sum3A_29 : vector<16xf32> to vector<1x16xf32>
    %div3A_30 = arith.constant 1.000000e+04 : f32
    %div3A_31 = vector.broadcast %div3A_30 : f32 to vector<1x16xf32>
    %div3A_32 = arith.divf %broadcast_in_dim3A, %div3A_31 : vector<1x16xf32>
    %sub3A = vector.broadcast %div3A_32 : vector<1x16xf32> to vector<10000x16xf32>
    %sub3A_33 = arith.subf %add3A_27, %sub3A : vector<10000x16xf32>
    %mul3A = arith.mulf %sub3A_33, %sub3A_33 : vector<10000x16xf32>
    %reduce_sum3A_34 = arith.constant dense<0.000000e+00> : vector<16xf32>
    %reduce_sum3A_35 = vector.multi_reduction <add>, %mul3A, %reduce_sum3A_34 [0] : vector<10000x16xf32> to vector<16xf32>
    %broadcast_in_dim3A_36 = vector.shape_cast %reduce_sum3A_35 : vector<16xf32> to vector<1x16xf32>
    %div3A_37 = arith.constant 1.000000e+04 : f32
    %div3A_38 = vector.broadcast %div3A_37 : f32 to vector<1x16xf32>
    %div3A_39 = arith.divf %broadcast_in_dim3A_36, %div3A_38 : vector<1x16xf32>
    %get3A_40 = arith.constant 0 : index
    %get3A_41 = arith.constant 0 : index
    %get3A_42 = vector.load %arg3[%get3A_40, %get3A_41] : memref<1x16xf32, #tpu.memory_space<vmem>>, vector<1x16xf32>
    %add3A_43 = arith.constant 9.99999974E-6 : f32
    %add3A_44 = vector.broadcast %add3A_43 : f32 to vector<1x16xf32>
    %add3A_45 = arith.addf %div3A_39, %add3A_44 : vector<1x16xf32>
    %rsqrt3A = math.rsqrt %add3A_45 : vector<1x16xf32>
    %mul3A_46 = arith.mulf %get3A_42, %rsqrt3A : vector<1x16xf32>
    %mul3A_47 = vector.broadcast %mul3A_46 : vector<1x16xf32> to vector<10000x16xf32>
    %mul3A_48 = arith.mulf %sub3A_33, %mul3A_47 : vector<10000x16xf32>
    %get3A_49 = arith.constant 0 : index
    %get3A_50 = arith.constant 0 : index
    %get3A_51 = vector.load %arg5[%get3A_49, %get3A_50] : memref<1x16xf32, #tpu.memory_space<vmem>>, vector<1x16xf32>
    %add3A_52 = vector.broadcast %get3A_51 : vector<1x16xf32> to vector<10000x16xf32>
    %add3A_53 = arith.addf %mul3A_48, %add3A_52 : vector<10000x16xf32>
    %mul3A_54 = arith.mulf %slice3A_28, %slice3A_28 : vector<10000x48xf32>
    %reduce_sum3A_55 = arith.constant dense<0.000000e+00> : vector<48xf32>
    %reduce_sum3A_56 = vector.multi_reduction <add>, %mul3A_54, %reduce_sum3A_55 [0] : vector<10000x48xf32> to vector<48xf32>
    %broadcast_in_dim3A_57 = vector.shape_cast %reduce_sum3A_56 : vector<48xf32> to vector<1x48xf32>
    %div3A_58 = arith.constant 1.000000e+04 : f32
    %div3A_59 = vector.broadcast %div3A_58 : f32 to vector<1x48xf32>
    %div3A_60 = arith.divf %broadcast_in_dim3A_57, %div3A_59 : vector<1x48xf32>
    %get3A_61 = arith.constant 0 : index
    %get3A_62 = arith.constant 0 : index
    %get3A_63 = vector.load %arg6[%get3A_61, %get3A_62] : memref<48x16xf32, #tpu.memory_space<vmem>>, vector<48x16xf32>
    %dot_general3A = arith.constant dense<0.000000e+00> : vector<1x16xf32>
    %dot_general3A_64 = tpu.matmul %div3A_60, %get3A_63, %dot_general3A {dimension_numbers = #tpu.dot_dimension_numbers<[1], [0], [0], [1], [0, 0, 1, 1], [], []>, transpose_lhs_hint = false} : vector<1x48xf32>, vector<48x16xf32>, vector<1x16xf32> -> vector<1x16xf32>
    %get3A_65 = arith.constant 0 : index
    %get3A_66 = arith.constant 0 : index
    %get3A_67 = vector.load %arg4[%get3A_65, %get3A_66] : memref<1x16xf32, #tpu.memory_space<vmem>>, vector<1x16xf32>
    %add3A_68 = arith.constant 9.99999974E-6 : f32
    %add3A_69 = vector.broadcast %add3A_68 : f32 to vector<1x16xf32>
    %add3A_70 = arith.addf %dot_general3A_64, %add3A_69 : vector<1x16xf32>
    %rsqrt3A_71 = math.rsqrt %add3A_70 : vector<1x16xf32>
    %mul3A_72 = arith.mulf %get3A_67, %rsqrt3A_71 : vector<1x16xf32>
    %get3A_73 = arith.constant 0 : index
    %get3A_74 = arith.constant 0 : index
    %get3A_75 = vector.load %arg7[%get3A_73, %get3A_74] : memref<16x48xf32, #tpu.memory_space<vmem>>, vector<16x48xf32>
    %dot_general3A_76 = arith.constant dense<0.000000e+00> : vector<1x48xf32>
    %dot_general3A_77 = tpu.matmul %mul3A_72, %get3A_75, %dot_general3A_76 {dimension_numbers = #tpu.dot_dimension_numbers<[1], [0], [0], [1], [0, 0, 1, 1], [], []>, transpose_lhs_hint = false} : vector<1x16xf32>, vector<16x48xf32>, vector<1x48xf32> -> vector<1x48xf32>
    %mul3A_78 = vector.broadcast %dot_general3A_77 : vector<1x48xf32> to vector<10000x48xf32>
    %mul3A_79 = arith.mulf %slice3A_28, %mul3A_78 : vector<10000x48xf32>
    %concatenate3A = tpu.concatenate %add3A_53, %mul3A_79 in 1 : vector<10000x16xf32>, vector<10000x48xf32> -> vector<10000x64xf32>
    %swap3A = arith.constant 0 : index
    %swap3A_80 = arith.constant 0 : index
    %swap3A_81 = vector.load %arg8[%swap3A, %swap3A_80] : memref<10000x64xf32, #tpu.memory_space<vmem>>, vector<10000x64xf32>
    tpu.vector_store %arg8[%swap3A, %swap3A_80], %concatenate3A {strides = array<i32>} : memref<10000x64xf32, #tpu.memory_space<vmem>>, vector<10000x64xf32>,
    return
  }
}

</mosaic_0001>

<sc_bundles>
// kernel: kernel.6.cloned.1.call-start
scs
__scs_entry_jumppad:
0x0: {  	(pc) =	sbr.rel $0x88, $3  }
0x1: {  	(tag) =	ssettag $0x0;
	lr =	simm.s32 $0x1  }
0x2: {  	[smem:$0x3F96] =	sst lr;
	_ =	strace $0xD0000000  }
0x3: {  	_ = 	snop  }
0x4: {  	_ = 	snop  }
0x5: {  	_ = 	snop  }
0x6: {  	_ = 	snop  }
0x7: {  	_ = 	snop  }
__scs_overlays_trampoline_lowered:
0x8: {  	[smem:$0x3FA5] =	sst s0  }
0x9: {  	[smem:$0x3FA6] =	sst s1  }
0xa: {  	[smem:$0x3FA7] =	sst s2  }
0xb: {  	[smem:$0x3FA8] =	sst s3  }
0xc: {  	[smem:$0x3FA9] =	sst s4  }
0xd: {  	[smem:$0x3FAA] =	sst s5  }
0xe: {  	[smem:$0x3FAB] =	sst s6  }
0xf: {  	[smem:$0x3FAC] =	sst s7  }
0x10: {  	[smem:$0x3FAD] =	sst s8  }
0x11: {  	[smem:$0x3FAE] =	sst s9;
	s0 =	simm.s32 @!p0 $0x0  }
0x12: {  	s1 =	sld [smem:$0x3F94];
	s0 =	simm.s32 @p0 $0x1  }
0x13: {  	[smem:$0x3FAF] =	sst s0;
	s0 =	simm.s32 @!p1 $0x0  }
0x14: {  	s2 =	sld [smem:$0x3F93];
	s0 =	simm.s32 @p1 $0x1  }
0x15: {  	[smem:$0x3FB0] =	sst s0;
	s0 =	simm.s32 @!p2 $0x0  }
0x16: {  	s3 =	sld [smem:$0x3FDB];
	s0 =	simm.s32 @p2 $0x1  }
0x17: {  	s4 =	simm.s32 $0x1BF5;
	[smem:$0x3FB2] =	sst s0  }
0x18: {  	s0 =	sld [smem:$0x3F95];
	_ =	swait.ge [sflag:s4], $0x0  }
0x19: {  	s7 =	sld [smem:$0x3F96]  }
0x1a: {  	s8 =	sadd.s32 $0xFFFFE003, lr  }
0x1b: {  	s9 =	sadd.s32 $0xFFFFFEF7, lr;
	s5 =	simm.s32 $0xFFFFFFFF;
	p2 =	slt.u32 s8, $0xFFFFF086  }
0x1c: {  	p1 =	slt.u32 s9, $0xF7A;
	s5 =	simm.s32 @!p2 $0x0  }
0x1d: {  	s5 =	simm.s32 @p1 $0x1;
	p0 =	seq.s32 s7, s2  }
0x1e: {  	s7 =	smul.u32 @!p0 $0xF7A, s2;
	p2 =	seq.s32 @!p0 s5, $0x0  }
0x1f: {  	s9 =	smul.u32 $0xF7A, s1;
	s8 =	simm.s32 @!p0 $0x1BF5;
	p2 =	por !p2, p0  }
0x20: {  	[sflag:s8] =	ssyncset.s32 @!p0 $0xFFFFF086;
	s6 =	sadd.s32 @!p0 s3, s7;
	s7 =	simm.s32 @!p0 $0x108  }
0x21: {  	s3 =	sadd.s32 s3, s9;
	s6 =	sadd.s32 @!p0 $0x88, s6;
	s7 =	simm.s32 @p2 $0x1082  }
0x22: {  	[simem:s7], [sflag:s8] =	dma.local @!p0 [hbm:s6], $0xF7A  }
0x23: {  	s9 =	sor.u32 $0xD0000000, s2;
	s6 =	simm.s32 $0x108;
	_ =	swait.ge @!p0 [sflag:s8], $0x0  }
0x24: {  	s3 =	sadd.s32 $0x88, s3;
	s6 =	simm.s32 @!p1 $0x1082;
	[sflag:s4] =	ssyncset.s32 $0xFFFFF086  }
0x25: {  	[simem:s6], [sflag:s4] =	dma.local [hbm:s3], $0xF7A  }
0x26: {  	[smem:$0x3F96] =	sst s1;
	(tag) =	ssettag s2;
	_ =	strace s9  }
0x27: {  	s1 =	sld [smem:$0x3FA6]  }
0x28: {  	s2 =	sld [smem:$0x3FA7]  }
0x29: {  	s4 =	sld [smem:$0x3FA9]  }
0x2a: {  	p0 =	seq.s32 s5, $0x0;
	s5 =	sld [smem:$0x3FAA]  }
0x2b: {  	s6 =	sld [smem:$0x3FAB]  }
0x2c: {  	s7 =	sld [smem:$0x3FAC]  }
0x2d: {  	s3 =	simm.s32 $0x108;
	s8 =	sld [smem:$0x3FAD]  }
0x2e: {  	s3 =	simm.s32 @!p0 $0x1082;
	s9 =	sld [smem:$0x3FAE]  }
0x2f: {  	lr =	sadd.s32 s0, s3;
	s0 =	sld [smem:$0x3FA5]  }
0x30: {  	s3 =	sld [smem:$0x3FA8]  }
0x31: {  	[smem:$0x3FB1] =	sst s10  }
0x32: {  	s10 =	sld [smem:$0x3FAF];
	_ =	sdelay $0x3  }
0x33: {  	p0 =	seq.s32 s10, $0x1;
	s10 =	sld [smem:$0x3FB1];
	_ =	sdelay $0x3  }
0x34: {  	[smem:$0x3FB1] =	sst s10  }
0x35: {  	s10 =	sld [smem:$0x3FB0];
	_ =	sdelay $0x3  }
0x36: {  	p1 =	seq.s32 s10, $0x1;
	s10 =	sld [smem:$0x3FB1];
	_ =	sdelay $0x3  }
0x37: {  	[smem:$0x3FB1] =	sst s10  }
0x38: {  	s10 =	sld [smem:$0x3FB2]  }
0x39: {  	_ = 	snop;
	(pc) =	sbr.ind lr, $3  }
0x3a: {  	_ = 	snop  }
0x3b: {  	_ = 	snop  }
0x3c: {  	p2 =	seq.s32 s10, $0x1;
	s10 =	sld [smem:$0x3FB1]  }
0x3d: {  	_ =	shalt  }
0x3e: {  	_ =	shalt  }
0x3f: {  	_ =	shalt  }
0x40: {  	_ =	shalt  }
0x41: {  	_ =	shalt  }
0x42: {  	_ =	shalt  }
0x43: {  	_ =	shalt  }
0x44: {  	_ =	shalt  }
0x45: {  	_ =	shalt  }
0x46: {  	_ =	shalt  }
0x47: {  	_ =	shalt  }
0x48: {  	_ =	shalt  }
0x49: {  	_ =	shalt  }
0x4a: {  	_ =	shalt  }
0x4b: {  	_ =	shalt  }
0x4c: {  	_ =	shalt  }
0x4d: {  	_ =	shalt  }
0x4e: {  	_ =	shalt  }
0x4f: {  	_ =	shalt  }
0x50: {  	_ =	shalt  }
0x51: {  	_ =	shalt  }
0x52: {  	_ =	shalt  }
0x53: {  	_ =	shalt  }
0x54: {  	_ =	shalt  }
0x55: {  	_ =	shalt  }
0x56: {  	_ =	shalt  }
0x57: {  	_ =	shalt  }
0x58: {  	_ =	shalt  }
0x59: {  	_ =	shalt  }
0x5a: {  	_ =	shalt  }
0x5b: {  	_ =	shalt  }
0x5c: {  	_ =	shalt  }
0x5d: {  	_ =	shalt  }
0x5e: {  	_ =	shalt  }
0x5f: {  	_ =	shalt  }
0x60: {  	_ =	shalt  }
0x61: {  	_ =	shalt  }
0x62: {  	_ =	shalt  }
0x63: {  	_ =	shalt  }
0x64: {  	_ =	shalt  }
0x65: {  	_ =	shalt  }
0x66: {  	_ =	shalt  }
0x67: {  	_ =	shalt  }
0x68: {  	_ =	shalt  }
0x69: {  	_ =	shalt  }
0x6a: {  	_ =	shalt  }
0x6b: {  	_ =	shalt  }
0x6c: {  	_ =	shalt  }
0x6d: {  	_ =	shalt  }
0x6e: {  	_ =	shalt  }
0x6f: {  	_ =	shalt  }
0x70: {  	_ =	shalt  }
0x71: {  	_ =	shalt  }
0x72: {  	_ =	shalt  }
0x73: {  	_ =	shalt  }
0x74: {  	_ =	shalt  }
0x75: {  	_ =	shalt  }
0x76: {  	_ =	shalt  }
0x77: {  	_ =	shalt  }
0x78: {  	_ =	shalt  }
0x79: {  	_ =	shalt  }
0x7a: {  	_ =	shalt  }
0x7b: {  	_ =	shalt  }
0x7c: {  	_ =	shalt  }
0x7d: {  	_ =	shalt  }
0x7e: {  	_ =	shalt  }
0x7f: {  	_ =	shalt  }
0x80: {  	_ =	shalt  }
0x81: {  	_ =	shalt  }
0x82: {  	_ =	shalt  }
0x83: {  	_ =	shalt  }
0x84: {  	_ =	shalt  }
0x85: {  	_ =	shalt  }
0x86: {  	_ =	shalt  }
0x87: {  	_ =	shalt  }
.Lfunc_end0:
.L_simem_size_0:
called_computation_lowered:
.L_overlay_start_0:
0x88: {  	s2 =	sld [smem:$0x3FD9]  }
0x89: {  	s3 =	sld [smem:$0x3FFE];
	_ =	sdelay $0x1  }
0x8a: {  	s1 =	srdreg.scid  }
0x8b: {  	s0 =	sand.u32 $0x1, s1  }
0x8c: {  	s17 =	sshll.u32 s0, $0xA;
	s2 =	sadd.s32 s3, s2  }
0x8d: {  	s2 =	sadd.s32 s2, s17  }
0x8e: {  	[smem:$0x3FBD] =	sst s2  }
0x8f: {  	_ = 	snop  }
0x90: {  	s2 =	sld [smem:$0x3FD0];
	(tm) =	ssettm $0x1  }
0x91: {  	s18 =	sld [smem:$0x3FFB];
	_ =	sdelay $0x3  }
0x92: {  	_ =	strace s18  }
0x93: {  	s3 =	sld [smem:$0x3FFC];
	_ =	sdelay $0x3  }
0x94: {  	_ =	strace s3  }
0x95: {  	s3 =	sld [smem:$0x3FFD];
	_ =	sdelay $0x3  }
0x96: {  	_ =	strace s3  }
0x97: {  	_ =	strace $0x8FFFFFFF  }
0x98: {  	s19 =	sld [smem:$0x3FDB];
	_ =	sdelay $0x1  }
0x99: {  	s4 =	simm.s32 $_scs_section_size  }
0x9a: {  	s5 =	simm.s32 $_size__tile_overlayer_lowered;
	s6 =	simm.s32 $_tile_overlayer_lowered  }
0x9b: {  	s22 =	simm.s32 $0x1BFF;
	s21 =	sshll.u32 s6, $0x1;
	s3 =	sadd.s32 s4, s19  }
0x9c: {  	s7 =	simm.s32 $0x0;
	s20 =	sshll.u32 s5, $0x1;
	s5 =	sadd.s32 s21, s3  }
0x9d: {  	[timem:s7], [sflag:s22] =	dma.local [hbm:s5], s20  }
0x9e: {  	_ =	swait.ge [sflag:s22], s20  }
0x9f: {  	s4 =	ssub.s32 $0x0, s20;
	[sflag:s22] =	ssyncset.done $0x0  }
0xa0: {  	[sflag:s22] =	ssyncadd.s32 s4;
	_ =	sdelay $0x1  }
0xa1: {  	s23 =	simm.s32 $0x1B8B  }
0xa2: {  	_ =	swait.ge [sflag:s23], $0x1  }
0xa3: {  	[sflag:s23] =	ssyncset.done $0x0  }
0xa4: {  	s25 =	simm.s32 $0x1B8E;
	s24 =	sld [smem:$0x3FFE];
	[sflag:s23] =	ssyncadd.s32 $0xFFFFFFFF  }
0xa5: {  	s26 =	simm.s32 $execute0_lowered;
	[smem:$0x3FD2] =	sst s25  }
0xa6: {  	s5 =	sshll.u32 s26, $0x1;
	_ =	strace $0x80000046;
	[dreg:$0x1] =	wrdreg $0xFFFFFFFF  }
0xa7: {  	s28 =	simm.s32 $_size_execute0_lowered;
	s3 =	sadd.s32 s3, s5;
	[dreg:$0x0] =	wrdreg $0x0  }
0xa8: {  	s5 =	sshll.u32 s28, $0x1;
	[dreg:$0x2] =	wrdreg s3  }
0xa9: {  	[dreg:$0x3] =	wrdreg s5  }
0xaa: {  	[dreg:$0x4] =	wrdreg $0xC0  }
0xab: {  	_ =	task [dreg:s7], $0x5FFFF  }
0xac: {  	[dreg:$0x1] =	wrdreg $0xFFFFFFFF  }
0xad: {  	[dreg:$0x0] =	wrdreg $0x60  }
0xae: {  	[dreg:$0x2] =	wrdreg s24  }
0xaf: {  	[dreg:$0x3] =	wrdreg s2  }
0xb0: {  	[dreg:$0x4] =	wrdreg $0x38000  }
0xb1: {  	[dreg:$0x5] =	wrdreg $0x9  }
0xb2: {  	_ =	task.clear_ibuf [dreg:s7], $0x6FFFF;
	_ =	strace $0x90000046  }
0xb3: {  	s29 =	simm.s32 $0x9;
	_ =	strace $0x80000048  }
0xb4: {  	_ =	swait.ge [sflag:s29], $0x1  }
0xb5: {  	[sflag:s29] =	ssyncadd.s32 $0xFFFFFFFF  }
0xb6: {  	_ =	strace $0x90000048  }
0xb7: {  	_ =	sfence  }
0xb8: {  	s30 =	sld [smem:$0x0];
	_ =	sdelay $0x2  }
0xb9: {  	s31 =	sshll.u32 s1, $0xD;
	s1 =	sshrl.u32 s1, $0x2  }
0xba: {  	s3 =	sand.u32 $0x4000, s31;
	s1 =	sadd.s32 s1, s30  }
0xbb: {  	s0 =	sor.u32 s3, s0;
	s1 =	sshll.u32 s1, $0x11  }
0xbc: {  	s0 =	sor.u32 s1, s0  }
0xbd: {  	s0 =	sadd.s32 $0x8F2B, s0  }
0xbe: {  	[sflag:s0] =	ssyncadd.remote.s32 $0x1  }
0xbf: {  	_ =	sfence.sel $0xFFFF  }
0xc0: {  	[dreg:$0x0] =	wrdreg $0xFFFFFFFF;
	(pc) =	sbr.abs _section_cstart, $3  }
0xc1: {  	[dreg:$0x1] =	wrdreg $0xFFFFFFFF  }
0xc2: {  	_ =	task.clear_ibuf [dreg:s7], $0x2FFFF;
	_ =	strace $0x9FFFFFFF  }
0xc3: {  	(tm) =	ssettm $0x7FFFFFFF  }
tec
execute0_lowered:
.L_overlay_start_1:
0x0: {  	(tag) =	ssettag $0x1  }
0x1: {  	s6 =	rddreg [dreg:$0x0]  }
0x2: {  	s0 =	srdreg.scid;
	s8 =	rddreg [dreg:$0x1]  }
0x3: {  	s2 =	rddreg [dreg:$0x2];
	s7 =	sand.u32 $0x1, s0;
	s0 =	stileid.u32  }
0x4: {  	s3 =	simm.s32 $0x0;
	s18 =	simm.s32 $0x2800;
	s9 =	smul.u32 $0x2780, s0  }
0x5: {  	s19 =	simm.s32 $0x1;
	s20 =	simm.s32 $0x0;
	s11 =	smul.u32 $0x27800, s7  }
0x6: {  	[smem:$0x7FF] =	sst s3;
	s1 =	sshll.u32 s7, $0x4;
	s14 =	smul.u32 $0x28000, s7  }
0x7: {  	s7 =	ssub.s32 $0x2, s7;
	s16 =	smul.u32 $0x2800, s0;
	s31 =	sshll.u32 s0, $0x6  }
0x8: {  	s4 =	sor.u32 s0, s1;
	s1 =	rddreg [dreg:$0x3];
	_ =	strace $0x80000047  }
0x9: {  	s15 =	sshrl.u32 s7, $0x1;
	s5 =	smul.u32 $0x1400, s4;
	s4 =	sadd.s32 $0x2AA00, s6  }
0xa: {  	s29 =	sshrl.u32 s9, $0x3;
	s11 =	sadd.s32 s9, s11;
	s14 =	sadd.s32 s14, s6  }
0xb: {  	s15 =	ssub.s32 s7, s15;
	s17 =	sadd.s32 s9, s2;
	s13 =	sadd.s32 s29, s6  }
0xc: {  	s11 =	sshrl.u32 s11, $0x3;
	s30 =	sadd.s32 s16, s14;
	s14 =	simm.s32 $0x3000  }
0xd: {  	s16 =	sshrl.u32 s17, $0x3;
	s17 =	simm.s32 $0x80;
	s10 =	sshrl.u32 s5, $0x3  }
0xe: {  	s5 =	sadd.s32 $0x39A00, s6;
	s11 =	sadd.s32 s11, s6;
	s12 =	sadd.s32 s10, s6  }
0xf: {  	s6 =	sadd.s32 s8, s10;
	s8 =	sadd.s32 $0x34A00, s13;
	s9 =	sadd.s32 $0x89C00, s11  }
0x10: {  	s10 =	smax.u32 s15, $0x1;
	s11 =	sadd.s32 $0x39C00, s30;
	s13 =	simm.s32 $0x1400  }
0x11: {  	s15 =	sor.u32 $0x1C02, s31;
	s7 =	sadd.s32 $0x2FA00, s12;
	s12 =	simm.s32 $0x2  }
.LBB2_1:
0x12: {  	[tilespmem:s3], [sflag:$0x2] =	stream.linear.gather [hbm4b:s6+s3], $0x1400, $0x38;
	[tilespmem:$0x5F80] =	vst v63  }
0x13: {  	_ =	swait.ge [sflag:s12], $0x1400  }
0x14: {  	[sflag:s12] =	ssyncset.done $0x0  }
0x15: {  	[sflag:s12] =	ssyncadd.s32 $0xFFFFEC00  }
0x16: {  	[tilespmem:s13], [sflag:$0x2] =	stream.linear.gather [hbm4b:s7+s3], $0x1400, $0x38;
	[tilespmem:$0x5F80] =	vst v63  }
0x17: {  	_ =	swait.ge [sflag:s12], $0x1400  }
0x18: {  	[sflag:s12] =	ssyncset.done $0x0  }
0x19: {  	[sflag:s12] =	ssyncadd.s32 $0xFFFFEC00  }
0x1a: {  	[tilespmem:s14], [sflag:$0x2] =	stream.linear.gather [hbm4b:s5+s3], $0x800, $0x38;
	[tilespmem:$0x5F80] =	vst v63  }
0x1b: {  	_ =	swait.ge [sflag:s12], $0x800  }
0x1c: {  	[sflag:s12] =	ssyncset.done $0x0  }
0x1d: {  	[sflag:s12] =	ssyncadd.s32 $0xFFFFF800  }
0x1e: {  	[spmem:s16], [sflag:s15] =	dma.local [hbm:s8], $0x4F0  }
0x1f: {  	_ =	swait.ge [sflag:s12], $0x4F0  }
0x20: {  	[sflag:s12] =	ssyncset.done $0x0  }
0x21: {  	[sflag:s12] =	ssyncadd.s32 $0xFFFFFB10  }
0x22: {  	s21 =	simm.s32 $0x0;
	[bflag:$0x0] =	sbarrier.arrive $0xFFFF  }
0x23: {  	[tilespmem:s18], [sflag:$0x1] =	stream.indirect.gather [hbm4b:s4+s17], $0x10, s21, s17, $0xb8;
	[tilespmem:$0x5F80] =	vst v63  }
0x24: {  	_ =	swait.ge [sflag:s19], $0x800  }
0x25: {  	[sflag:s19] =	ssyncset.done $0x0  }
0x26: {  	[sflag:s19] =	ssyncadd.s32 $0xFFFFF800  }
0x27: {  	[hbm4b:s11+s3] =	stream.linear.scatter [tilespmem:s18], [sflag:$0x2], $0x800, $0x38;
	[tilespmem:$0x5F80] =	vst v63  }
0x28: {  	_ =	swait.ge [sflag:s12], $0x800  }
0x29: {  	[sflag:s12] =	ssyncset.done $0x0  }
0x2a: {  	s31 =	simm.s32 $0x1400;
	[sflag:s12] =	ssyncadd.s32 $0xFFFFF800  }
0x2b: {  	[spmem:s2] =	stream.indirect.scatter.add.f32 [tilespmem:s14], [sflag:$0x2], $0x10, s31, s17, $0xb8;
	[tilespmem:$0x5F80] =	vst v63  }
0x2c: {  	s22 =	simm.s32 $0x200;
	_ =	swait.ge [sflag:s12], $0x800  }
0x2d: {  	s23 =	simm.s32 $0x400;
	s21 =	sadd.s32 $0x100, s11;
	[sflag:s12] =	ssyncset.done $0x0  }
.LBB2_2:
0x2e: {  	s24 =	sshra.s32 s22, $0x2  }
0x2f: {  	[sflag:s12] =	ssyncadd.s32 $0xFFFFF800;
	s22 =	smov.u32 s23;
	s25 =	sadd.s32 $0x200, s23  }
0x30: {  	[tilespmem:s18], [sflag:$0x1] =	stream.indirect.gather [hbm4b:s4+s17], $0x10, s24, s17, $0xb8;
	[tilespmem:$0x5F80] =	vst v63  }
0x31: {  	p0 =	sne.s32 s23, $0x4E00;
	_ =	swait.ge [sflag:s19], $0x800  }
0x32: {  	[sflag:s19] =	ssyncset.done $0x0  }
0x33: {  	[sflag:s19] =	ssyncadd.s32 $0xFFFFF800  }
0x34: {  	[hbm4b:s21+s3] =	stream.linear.scatter [tilespmem:s18], [sflag:$0x2], $0x800, $0x38;
	[tilespmem:$0x5F80] =	vst v63  }
0x35: {  	_ =	swait.ge [sflag:s12], $0x800  }
.Ltmp0:
0x36: {  	[sflag:s12] =	ssyncset.done $0x0;
	(pc) =	sbr.rel @p0 .LBB2_2-.Ltmp0, $4  }
0x37: {  	s23 =	sadd.s32 $0x1400, s24;
	[sflag:s12] =	ssyncadd.s32 $0xFFFFF800  }
0x38: {  	[spmem:s2] =	stream.indirect.scatter.add.f32 [tilespmem:s14], [sflag:$0x2], $0x10, s23, s17, $0xb8;
	[tilespmem:$0x5F80] =	vst v63  }
0x39: {  	_ =	swait.ge [sflag:s12], $0x800  }
0x3a: {  	s21 =	sadd.s32 $0x100, s21;
	s23 =	smov.u32 s25;
	[sflag:s12] =	ssyncset.done $0x0  }
0x3b: {  	s22 =	sshra.s32 s22, $0x2;
	[sflag:s12] =	ssyncadd.s32 $0xFFFFF800  }
0x3c: {  	[tilespmem:s18], [sflag:$0x1] =	stream.indirect.gather [hbm4b:s4+s17], $0x10, s22, s17, $0xb8;
	[tilespmem:$0x5F80] =	vst v63  }
0x3d: {  	_ =	swait.ge [sflag:s19], $0x800  }
0x3e: {  	[sflag:s19] =	ssyncset.done $0x0  }
0x3f: {  	[sflag:s19] =	ssyncadd.s32 $0xFFFFF800  }
0x40: {  	[hbm4b:s21+s3] =	stream.linear.scatter [tilespmem:s18], [sflag:$0x2], $0x800, $0x38;
	[tilespmem:$0x5F80] =	vst v63  }
0x41: {  	_ =	swait.ge [sflag:s12], $0x800  }
0x42: {  	[sflag:s12] =	ssyncset.done $0x0  }
0x43: {  	s31 =	sadd.s32 $0x1400, s22;
	[sflag:s12] =	ssyncadd.s32 $0xFFFFF800  }
0x44: {  	[spmem:s2] =	stream.indirect.scatter.add.f32 [tilespmem:s14], [sflag:$0x2], $0x10, s31, s17, $0xb8;
	[tilespmem:$0x5F80] =	vst v63  }
0x45: {  	_ =	swait.ge [sflag:s12], $0x800  }
0x46: {  	s20 =	sadd.s32 $0x1, s20;
	[sflag:s12] =	ssyncset.done $0x0  }
0x47: {  	p0 =	sne.s32 s20, s10;
	[sflag:s12] =	ssyncadd.s32 $0xFFFFF800  }
.Ltmp1:
0x48: {  	[bflag:$0x0] =	sbarrier.arrive $0xFFFF;
	(pc) =	sbr.rel @p0 .LBB2_1-.Ltmp1, $4  }
0x49: {  	[hbm:s9], [sflag:s15] =	dma.local [spmem:s16], $0x4F0  }
0x4a: {  	_ =	swait.ge [sflag:s12], $0x4F0  }
0x4b: {  	[sflag:s12] =	ssyncset.done $0x0  }
0x4c: {  	[sflag:s12] =	ssyncadd.s32 $0xFFFFFB10  }
0x4d: {  	_ =	sfence.sel $0x180000  }
0x4e: {  	[bflag:$0x0] =	sbarrier.arrive $0xFFFF  }
0x4f: {  	p0 =	sne.s32 s0, $0x0;
	_ =	strace $0x90000047  }
0x50: {  	s0 =	sadd.s32 @!p0 $0x100000, s1;
	[bflag:$0x2] =	sbarrier.arrive $0xFFFF  }
0x51: {  	[sflag:s0] =	ssyncadd.tile.s32 @!p0 $0x1;
	_ =	shalt  }
.Lfunc_end2:
_tile_overlayer_lowered:
.L_overlay_start_2:
0x52: {  	(tag) =	ssettag $0x2  }
0x53: {  	s0 =	rddreg [dreg:$0x0];
	s2 =	stileid.u32  }
0x54: {  	s1 =	rddreg [dreg:$0x1];
	p0 =	sne.s32 s2, $0x0  }
0x55: {  	s3 =	rddreg [dreg:$0x2];
	[bflag:$0x3] =	sbarrier.arrive $0xFFFF;
	s2 =	simm.s32 @!p0 $0x1C02  }
0x56: {  	[timem:s3], [sflag:s2] =	dma.local @!p0 [hbm:s0], s1  }
0x57: {  	s0 =	simm.s32 @!p0 $0x2  }
0x58: {  	_ =	swait.ge @!p0 [sflag:s0], s1  }
0x59: {  	s1 =	ssub.s32 @!p0 $0x0, s1;
	[sflag:s0] =	ssyncset.done @!p0 $0x0  }
0x5a: {  	[sflag:s0] =	ssyncadd.s32 @!p0 s1  }
0x5b: {  	[bflag:$0x3] =	sbarrier.arrive $0xFFFF  }
0x5c: {  	_ =	shalt  }

// kernel: kernel.9.cloned.1.call-start
scs
__scs_entry_jumppad:
0x0: {  	(pc) =	sbr.rel $0x88, $3  }
0x1: {  	(tag) =	ssettag $0x0;
	lr =	simm.s32 $0x1  }
0x2: {  	[smem:$0x3F96] =	sst lr;
	_ =	strace $0xD0000000  }
0x3: {  	_ = 	snop  }
0x4: {  	_ = 	snop  }
0x5: {  	_ = 	snop  }
0x6: {  	_ = 	snop  }
0x7: {  	_ = 	snop  }
__scs_overlays_trampoline_lowered:
0x8: {  	[smem:$0x3FA5] =	sst s0  }
0x9: {  	[smem:$0x3FA6] =	sst s1  }
0xa: {  	[smem:$0x3FA7] =	sst s2  }
0xb: {  	[smem:$0x3FA8] =	sst s3  }
0xc: {  	[smem:$0x3FA9] =	sst s4  }
0xd: {  	[smem:$0x3FAA] =	sst s5  }
0xe: {  	[smem:$0x3FAB] =	sst s6  }
0xf: {  	[smem:$0x3FAC] =	sst s7  }
0x10: {  	[smem:$0x3FAD] =	sst s8  }
0x11: {  	[smem:$0x3FAE] =	sst s9;
	s0 =	simm.s32 @!p0 $0x0  }
0x12: {  	s1 =	sld [smem:$0x3F94];
	s0 =	simm.s32 @p0 $0x1  }
0x13: {  	[smem:$0x3FAF] =	sst s0;
	s0 =	simm.s32 @!p1 $0x0  }
0x14: {  	s2 =	sld [smem:$0x3F93];
	s0 =	simm.s32 @p1 $0x1  }
0x15: {  	[smem:$0x3FB0] =	sst s0;
	s0 =	simm.s32 @!p2 $0x0  }
0x16: {  	s3 =	sld [smem:$0x3FDB];
	s0 =	simm.s32 @p2 $0x1  }
0x17: {  	s4 =	simm.s32 $0x1BF5;
	[smem:$0x3FB2] =	sst s0  }
0x18: {  	s0 =	sld [smem:$0x3F95];
	_ =	swait.ge [sflag:s4], $0x0  }
0x19: {  	s7 =	sld [smem:$0x3F96]  }
0x1a: {  	s8 =	sadd.s32 $0xFFFFE003, lr  }
0x1b: {  	s9 =	sadd.s32 $0xFFFFFEF7, lr;
	s5 =	simm.s32 $0xFFFFFFFF;
	p2 =	slt.u32 s8, $0xFFFFF086  }
0x1c: {  	p1 =	slt.u32 s9, $0xF7A;
	s5 =	simm.s32 @!p2 $0x0  }
0x1d: {  	s5 =	simm.s32 @p1 $0x1;
	p0 =	seq.s32 s7, s2  }
0x1e: {  	s7 =	smul.u32 @!p0 $0xF7A, s2;
	p2 =	seq.s32 @!p0 s5, $0x0  }
0x1f: {  	s9 =	smul.u32 $0xF7A, s1;
	s8 =	simm.s32 @!p0 $0x1BF5;
	p2 =	por !p2, p0  }
0x20: {  	[sflag:s8] =	ssyncset.s32 @!p0 $0xFFFFF086;
	s6 =	sadd.s32 @!p0 s3, s7;
	s7 =	simm.s32 @!p0 $0x108  }
0x21: {  	s3 =	sadd.s32 s3, s9;
	s6 =	sadd.s32 @!p0 $0x88, s6;
	s7 =	simm.s32 @p2 $0x1082  }
0x22: {  	[simem:s7], [sflag:s8] =	dma.local @!p0 [hbm:s6], $0xF7A  }
0x23: {  	s9 =	sor.u32 $0xD0000000, s2;
	s6 =	simm.s32 $0x108;
	_ =	swait.ge @!p0 [sflag:s8], $0x0  }
0x24: {  	s3 =	sadd.s32 $0x88, s3;
	s6 =	simm.s32 @!p1 $0x1082;
	[sflag:s4] =	ssyncset.s32 $0xFFFFF086  }
0x25: {  	[simem:s6], [sflag:s4] =	dma.local [hbm:s3], $0xF7A  }
0x26: {  	[smem:$0x3F96] =	sst s1;
	(tag) =	ssettag s2;
	_ =	strace s9  }
0x27: {  	s1 =	sld [smem:$0x3FA6]  }
0x28: {  	s2 =	sld [smem:$0x3FA7]  }
0x29: {  	s4 =	sld [smem:$0x3FA9]  }
0x2a: {  	p0 =	seq.s32 s5, $0x0;
	s5 =	sld [smem:$0x3FAA]  }
0x2b: {  	s6 =	sld [smem:$0x3FAB]  }
0x2c: {  	s7 =	sld [smem:$0x3FAC]  }
0x2d: {  	s3 =	simm.s32 $0x108;
	s8 =	sld [smem:$0x3FAD]  }
0x2e: {  	s3 =	simm.s32 @!p0 $0x1082;
	s9 =	sld [smem:$0x3FAE]  }
0x2f: {  	lr =	sadd.s32 s0, s3;
	s0 =	sld [smem:$0x3FA5]  }
0x30: {  	s3 =	sld [smem:$0x3FA8]  }
0x31: {  	[smem:$0x3FB1] =	sst s10  }
0x32: {  	s10 =	sld [smem:$0x3FAF];
	_ =	sdelay $0x3  }
0x33: {  	p0 =	seq.s32 s10, $0x1;
	s10 =	sld [smem:$0x3FB1];
	_ =	sdelay $0x3  }
0x34: {  	[smem:$0x3FB1] =	sst s10  }
0x35: {  	s10 =	sld [smem:$0x3FB0];
	_ =	sdelay $0x3  }
0x36: {  	p1 =	seq.s32 s10, $0x1;
	s10 =	sld [smem:$0x3FB1];
	_ =	sdelay $0x3  }
0x37: {  	[smem:$0x3FB1] =	sst s10  }
0x38: {  	s10 =	sld [smem:$0x3FB2]  }
0x39: {  	_ = 	snop;
	(pc) =	sbr.ind lr, $3  }
0x3a: {  	_ = 	snop  }
0x3b: {  	_ = 	snop  }
0x3c: {  	p2 =	seq.s32 s10, $0x1;
	s10 =	sld [smem:$0x3FB1]  }
0x3d: {  	_ =	shalt  }
0x3e: {  	_ =	shalt  }
0x3f: {  	_ =	shalt  }
0x40: {  	_ =	shalt  }
0x41: {  	_ =	shalt  }
0x42: {  	_ =	shalt  }
0x43: {  	_ =	shalt  }
0x44: {  	_ =	shalt  }
0x45: {  	_ =	shalt  }
0x46: {  	_ =	shalt  }
0x47: {  	_ =	shalt  }
0x48: {  	_ =	shalt  }
0x49: {  	_ =	shalt  }
0x4a: {  	_ =	shalt  }
0x4b: {  	_ =	shalt  }
0x4c: {  	_ =	shalt  }
0x4d: {  	_ =	shalt  }
0x4e: {  	_ =	shalt  }
0x4f: {  	_ =	shalt  }
0x50: {  	_ =	shalt  }
0x51: {  	_ =	shalt  }
0x52: {  	_ =	shalt  }
0x53: {  	_ =	shalt  }
0x54: {  	_ =	shalt  }
0x55: {  	_ =	shalt  }
0x56: {  	_ =	shalt  }
0x57: {  	_ =	shalt  }
0x58: {  	_ =	shalt  }
0x59: {  	_ =	shalt  }
0x5a: {  	_ =	shalt  }
0x5b: {  	_ =	shalt  }
0x5c: {  	_ =	shalt  }
0x5d: {  	_ =	shalt  }
0x5e: {  	_ =	shalt  }
0x5f: {  	_ =	shalt  }
0x60: {  	_ =	shalt  }
0x61: {  	_ =	shalt  }
0x62: {  	_ =	shalt  }
0x63: {  	_ =	shalt  }
0x64: {  	_ =	shalt  }
0x65: {  	_ =	shalt  }
0x66: {  	_ =	shalt  }
0x67: {  	_ =	shalt  }
0x68: {  	_ =	shalt  }
0x69: {  	_ =	shalt  }
0x6a: {  	_ =	shalt  }
0x6b: {  	_ =	shalt  }
0x6c: {  	_ =	shalt  }
0x6d: {  	_ =	shalt  }
0x6e: {  	_ =	shalt  }
0x6f: {  	_ =	shalt  }
0x70: {  	_ =	shalt  }
0x71: {  	_ =	shalt  }
0x72: {  	_ =	shalt  }
0x73: {  	_ =	shalt  }
0x74: {  	_ =	shalt  }
0x75: {  	_ =	shalt  }
0x76: {  	_ =	shalt  }
0x77: {  	_ =	shalt  }
0x78: {  	_ =	shalt  }
0x79: {  	_ =	shalt  }
0x7a: {  	_ =	shalt  }
0x7b: {  	_ =	shalt  }
0x7c: {  	_ =	shalt  }
0x7d: {  	_ =	shalt  }
0x7e: {  	_ =	shalt  }
0x7f: {  	_ =	shalt  }
0x80: {  	_ =	shalt  }
0x81: {  	_ =	shalt  }
0x82: {  	_ =	shalt  }
0x83: {  	_ =	shalt  }
0x84: {  	_ =	shalt  }
0x85: {  	_ =	shalt  }
0x86: {  	_ =	shalt  }
0x87: {  	_ =	shalt  }
.Lfunc_end0:
.L_simem_size_0:
called_computation.1_lowered:
.L_overlay_start_0:
0x88: {  	s2 =	sld [smem:$0x3FD9]  }
0x89: {  	s3 =	sld [smem:$0x3FFE];
	_ =	sdelay $0x1  }
0x8a: {  	s1 =	srdreg.scid  }
0x8b: {  	s0 =	sand.u32 $0x1, s1  }
0x8c: {  	s17 =	sshll.u32 s0, $0xA;
	s2 =	sadd.s32 s3, s2  }
0x8d: {  	s2 =	sadd.s32 s2, s17  }
0x8e: {  	[smem:$0x3FBD] =	sst s2  }
0x8f: {  	_ = 	snop  }
0x90: {  	s2 =	sld [smem:$0x3FD0];
	(tm) =	ssettm $0x1  }
0x91: {  	s18 =	sld [smem:$0x3FFB];
	_ =	sdelay $0x3  }
0x92: {  	_ =	strace s18  }
0x93: {  	s3 =	sld [smem:$0x3FFC];
	_ =	sdelay $0x3  }
0x94: {  	_ =	strace s3  }
0x95: {  	s3 =	sld [smem:$0x3FFD];
	_ =	sdelay $0x3  }
0x96: {  	_ =	strace s3  }
0x97: {  	_ =	strace $0x8FFFFFFF  }
0x98: {  	s19 =	sld [smem:$0x3FDB];
	_ =	sdelay $0x1  }
0x99: {  	s4 =	simm.s32 $_scs_section_size  }
0x9a: {  	s5 =	simm.s32 $_size__tile_overlayer_lowered;
	s6 =	simm.s32 $_tile_overlayer_lowered  }
0x9b: {  	s22 =	simm.s32 $0x1BFF;
	s21 =	sshll.u32 s6, $0x1;
	s3 =	sadd.s32 s4, s19  }
0x9c: {  	s7 =	simm.s32 $0x0;
	s20 =	sshll.u32 s5, $0x1;
	s5 =	sadd.s32 s21, s3  }
0x9d: {  	[timem:s7], [sflag:s22] =	dma.local [hbm:s5], s20  }
0x9e: {  	_ =	swait.ge [sflag:s22], s20  }
0x9f: {  	s4 =	ssub.s32 $0x0, s20;
	[sflag:s22] =	ssyncset.done $0x0  }
0xa0: {  	[sflag:s22] =	ssyncadd.s32 s4;
	_ =	sdelay $0x1  }
0xa1: {  	s23 =	simm.s32 $0x1B8B  }
0xa2: {  	_ =	swait.ge [sflag:s23], $0x1  }
0xa3: {  	[sflag:s23] =	ssyncset.done $0x0  }
0xa4: {  	s25 =	simm.s32 $0x1B8E;
	s24 =	sld [smem:$0x3FFE];
	[sflag:s23] =	ssyncadd.s32 $0xFFFFFFFF  }
0xa5: {  	s26 =	simm.s32 $execute0_lowered;
	[smem:$0x3FD2] =	sst s25  }
0xa6: {  	s5 =	sshll.u32 s26, $0x1;
	_ =	strace $0x80000049;
	[dreg:$0x1] =	wrdreg $0xFFFFFFFF  }
0xa7: {  	s28 =	simm.s32 $_size_execute0_lowered;
	s3 =	sadd.s32 s3, s5;
	[dreg:$0x0] =	wrdreg $0x0  }
0xa8: {  	s5 =	sshll.u32 s28, $0x1;
	[dreg:$0x2] =	wrdreg s3  }
0xa9: {  	[dreg:$0x3] =	wrdreg s5  }
0xaa: {  	[dreg:$0x4] =	wrdreg $0xC0  }
0xab: {  	_ =	task [dreg:s7], $0x5FFFF  }
0xac: {  	[dreg:$0x1] =	wrdreg $0xFFFFFFFF  }
0xad: {  	[dreg:$0x0] =	wrdreg $0x60  }
0xae: {  	[dreg:$0x2] =	wrdreg s24  }
0xaf: {  	[dreg:$0x3] =	wrdreg s2  }
0xb0: {  	[dreg:$0x4] =	wrdreg $0x34000  }
0xb1: {  	[dreg:$0x5] =	wrdreg $0x9  }
0xb2: {  	_ =	task.clear_ibuf [dreg:s7], $0x6FFFF;
	_ =	strace $0x90000049  }
0xb3: {  	s29 =	simm.s32 $0x9;
	_ =	strace $0x8000004B  }
0xb4: {  	_ =	swait.ge [sflag:s29], $0x1  }
0xb5: {  	[sflag:s29] =	ssyncadd.s32 $0xFFFFFFFF  }
0xb6: {  	_ =	strace $0x9000004B  }
0xb7: {  	_ =	sfence  }
0xb8: {  	s30 =	sld [smem:$0x0];
	_ =	sdelay $0x2  }
0xb9: {  	s31 =	sshll.u32 s1, $0xD;
	s1 =	sshrl.u32 s1, $0x2  }
0xba: {  	s3 =	sand.u32 $0x4000, s31;
	s1 =	sadd.s32 s1, s30  }
0xbb: {  	s0 =	sor.u32 s3, s0;
	s1 =	sshll.u32 s1, $0x11  }
0xbc: {  	s0 =	sor.u32 s1, s0  }
0xbd: {  	s0 =	sadd.s32 $0x8F2B, s0  }
0xbe: {  	[sflag:s0] =	ssyncadd.remote.s32 $0x1  }
0xbf: {  	_ =	sfence.sel $0xFFFF  }
0xc0: {  	[dreg:$0x0] =	wrdreg $0xFFFFFFFF;
	(pc) =	sbr.abs _section_cstart, $3  }
0xc1: {  	[dreg:$0x1] =	wrdreg $0xFFFFFFFF  }
0xc2: {  	_ =	task.clear_ibuf [dreg:s7], $0x2FFFF;
	_ =	strace $0x9FFFFFFF  }
0xc3: {  	(tm) =	ssettm $0x7FFFFFFF  }
tec
execute0_lowered:
.L_overlay_start_1:
0x0: {  	(tag) =	ssettag $0x1  }
0x1: {  	s5 =	rddreg [dreg:$0x0]  }
0x2: {  	s0 =	srdreg.scid;
	s6 =	rddreg [dreg:$0x1]  }
0x3: {  	s2 =	rddreg [dreg:$0x2];
	s4 =	sand.u32 $0x1, s0  }
0x4: {  	s3 =	simm.s32 $0x0;
	s0 =	stileid.u32;
	s7 =	smul.u32 $0xA0000, s4  }
0x5: {  	s14 =	simm.s32 $0x0;
	[smem:$0x7FF] =	sst s3;
	s9 =	smul.u32 $0x9E00, s0  }
0x6: {  	s1 =	sshll.u32 s4, $0x4;
	s10 =	smul.u32 $0x9E000, s4;
	s4 =	ssub.s32 $0x2, s4  }
0x7: {  	s12 =	smul.u32 $0xA000, s0;
	s31 =	sshll.u32 s0, $0x6;
	s1 =	sor.u32 s0, s1  }
0x8: {  	s11 =	sshrl.u32 s4, $0x1;
	s8 =	smul.u32 $0x1400, s1;
	s1 =	rddreg [dreg:$0x3]  }
0x9: {  	_ =	strace $0x8000004A;
	s7 =	sadd.s32 s7, s5;
	s10 =	sadd.s32 s9, s10  }
0xa: {  	s11 =	ssub.s32 s4, s11;
	s13 =	sadd.s32 s9, s2;
	s29 =	sshrl.u32 s9, $0x3  }
0xb: {  	s9 =	simm.s32 $0x1;
	s10 =	sshrl.u32 s10, $0x3;
	s30 =	sadd.s32 s12, s7  }
0xc: {  	s7 =	smax.u32 s11, $0x1;
	s11 =	sshrl.u32 s13, $0x3;
	s12 =	simm.s32 $0x1400  }
0xd: {  	s13 =	simm.s32 $0x80;
	s8 =	sshrl.u32 s8, $0x3;
	s10 =	sadd.s32 s10, s5  }
0xe: {  	s8 =	sadd.s32 s8, s5;
	s5 =	sadd.s32 s6, s29;
	s6 =	sadd.s32 $0x34A00, s10  }
0xf: {  	s10 =	sor.u32 $0x1C01, s31;
	s4 =	sadd.s32 $0x2FA00, s8;
	s8 =	sadd.s32 $0x93E00, s30  }
.LBB2_1:
0x10: {  	[tilespmem:s3], [sflag:$0x1] =	stream.linear.gather [hbm4b:s4+s3], $0x1400, $0x38;
	[tilespmem:$0xD200] =	vst v63  }
0x11: {  	_ =	swait.ge [sflag:s9], $0x1400  }
0x12: {  	[sflag:s9] =	ssyncset.done $0x0  }
0x13: {  	[sflag:s9] =	ssyncadd.s32 $0xFFFFEC00  }
0x14: {  	[spmem:s11], [sflag:s10] =	dma.local [hbm:s5], $0x13C0  }
0x15: {  	_ =	swait.ge [sflag:s9], $0x13C0  }
0x16: {  	[sflag:s9] =	ssyncset.done $0x0  }
0x17: {  	[sflag:s9] =	ssyncadd.s32 $0xFFFFEC40  }
0x18: {  	[bflag:$0x0] =	sbarrier.arrive $0xFFFF  }
0x19: {  	[tilespmem:s12], [sflag:$0x1] =	stream.linear.gather [hbm4b:s8+s3], $0x2000, $0x38;
	[tilespmem:$0xD200] =	vst v63  }
0x1a: {  	_ =	swait.ge [sflag:s9], $0x2000  }
0x1b: {  	[sflag:s9] =	ssyncset.done $0x0  }
0x1c: {  	s15 =	simm.s32 $0x0;
	[sflag:s9] =	ssyncadd.s32 $0xFFFFE000  }
0x1d: {  	[spmem:s2] =	stream.indirect.scatter.add.f32 [tilespmem:s12], [sflag:$0x1], $0x40, s15, s13, $0xb8;
	[tilespmem:$0xD200] =	vst v63  }
0x1e: {  	_ =	swait.ge [sflag:s9], $0x2000  }
0x1f: {  	s16 =	smov.u32 s8;
	s15 =	simm.s32 $0x200;
	[sflag:s9] =	ssyncset.done $0x0  }
.LBB2_2:
0x20: {  	p0 =	sne.s32 s15, $0x4E00;
	[sflag:s9] =	ssyncadd.s32 $0xFFFFE000;
	s16 =	sadd.s32 $0x400, s16  }
0x21: {  	[tilespmem:s12], [sflag:$0x1] =	stream.linear.gather [hbm4b:s16+s3], $0x2000, $0x38;
	[tilespmem:$0xD200] =	vst v63  }
0x22: {  	s17 =	smov.u32 s15;
	s15 =	sadd.s32 $0x200, s15;
	_ =	swait.ge [sflag:s9], $0x2000  }
.Ltmp0:
0x23: {  	[sflag:s9] =	ssyncset.done $0x0;
	(pc) =	sbr.rel @p0 .LBB2_2-.Ltmp0, $4  }
0x24: {  	s17 =	sshra.s32 s17, $0x2;
	[sflag:s9] =	ssyncadd.s32 $0xFFFFE000  }
0x25: {  	[spmem:s2] =	stream.indirect.scatter.add.f32 [tilespmem:s12], [sflag:$0x1], $0x40, s17, s13, $0xb8;
	[tilespmem:$0xD200] =	vst v63  }
0x26: {  	_ =	swait.ge [sflag:s9], $0x2000  }
0x27: {  	[sflag:s9] =	ssyncset.done $0x0  }
0x28: {  	s14 =	sadd.s32 $0x1, s14  }
0x29: {  	[sflag:s9] =	ssyncadd.s32 $0xFFFFE000;
	p0 =	sne.s32 s14, s7  }
.Ltmp1:
0x2a: {  	[bflag:$0x0] =	sbarrier.arrive $0xFFFF;
	(pc) =	sbr.rel @p0 .LBB2_1-.Ltmp1, $4  }
0x2b: {  	[hbm:s6], [sflag:s10] =	dma.local [spmem:s11], $0x13C0  }
0x2c: {  	_ =	swait.ge [sflag:s9], $0x13C0  }
0x2d: {  	[sflag:s9] =	ssyncset.done $0x0  }
0x2e: {  	[sflag:s9] =	ssyncadd.s32 $0xFFFFEC40  }
0x2f: {  	_ =	sfence.sel $0x180000  }
0x30: {  	[bflag:$0x0] =	sbarrier.arrive $0xFFFF  }
0x31: {  	p0 =	sne.s32 s0, $0x0;
	_ =	strace $0x9000004A  }
0x32: {  	s0 =	sadd.s32 @!p0 $0x100000, s1;
	[bflag:$0x2] =	sbarrier.arrive $0xFFFF  }
0x33: {  	[sflag:s0] =	ssyncadd.tile.s32 @!p0 $0x1;
	_ =	shalt  }
.Lfunc_end2:
_tile_overlayer_lowered:
.L_overlay_start_2:
0x34: {  	(tag) =	ssettag $0x2  }
0x35: {  	s0 =	rddreg [dreg:$0x0];
	s2 =	stileid.u32  }
0x36: {  	s1 =	rddreg [dreg:$0x1];
	p0 =	sne.s32 s2, $0x0  }
0x37: {  	s3 =	rddreg [dreg:$0x2];
	[bflag:$0x3] =	sbarrier.arrive $0xFFFF;
	s2 =	simm.s32 @!p0 $0x1C01  }
0x38: {  	[timem:s3], [sflag:s2] =	dma.local @!p0 [hbm:s0], s1  }
0x39: {  	s0 =	simm.s32 @!p0 $0x1  }
0x3a: {  	_ =	swait.ge @!p0 [sflag:s0], s1  }
0x3b: {  	s1 =	ssub.s32 @!p0 $0x0, s1;
	[sflag:s0] =	ssyncset.done @!p0 $0x0  }
0x3c: {  	[sflag:s0] =	ssyncadd.s32 @!p0 s1  }
0x3d: {  	[bflag:$0x3] =	sbarrier.arrive $0xFFFF  }
0x3e: {  	_ =	shalt  }

</sc_bundles>
